<compile_context>
chip_gen: v7x
topology: tpu7x:2x2x1
jax: 0.10.2.dev20260603
libtpu: 0.0.44.dev20260713+nightly
codegen_flags: <defaults>
</compile_context>

<pallas_src>
import functools
import math

import jax
import jax.numpy as jnp
from jax import lax
from jax.experimental import pallas as pl
from jax.experimental.pallas import tpu as pltpu
from jax.experimental.pallas import tpu_sc as plsc

D_MODEL = 1024
N_EXPERTS = 16
TOP_K = 2
CAP_FACTOR = 1.25
NUM_TOKENS = 2048


def _cap(num_tokens):
    cap = math.floor(TOP_K * CAP_FACTOR * num_tokens / N_EXPERTS)
    cap += cap % 2
    return max(int(cap), 2)


CAP = _cap(NUM_TOKENS)
SLOTS = N_EXPERTS * CAP
T_PAD = NUM_TOKENS + 8
TB = 256
NG = NUM_TOKENS // TB

SC_CORES = 2
SC_SUBCORES = 16
NW = SC_CORES * SC_SUBCORES
ROWS_PER_W = SLOTS // NW
ROW_CHUNK = 80


def _route_body(x_ref, w_ref, logits_ref, xpad_ref,
                slot0_ref, slot1_ref, p0_ref, p1_ref):
    T, E = NUM_TOKENS, N_EXPERTS
    x = x_ref[...]
    xpad_ref[0:T, :] = x
    xpad_ref[T:T_PAD, :] = jnp.zeros((T_PAD - T, D_MODEL), jnp.float32)
    logits = lax.dot_general(
        x, w_ref[...], (((1,), (1,)), ((), ())),
        preferred_element_type=jnp.float32,
        precision=lax.Precision.DEFAULT)
    logits_ref[...] = logits

    lane_e = lax.broadcasted_iota(jnp.int32, (T, E), 1)
    m0 = jnp.max(logits, axis=1, keepdims=True)
    i0 = jnp.min(jnp.where(logits == m0, lane_e, E), axis=1, keepdims=True)
    sel0 = lane_e == i0
    masked = jnp.where(sel0, -jnp.inf, logits)
    m1 = jnp.max(masked, axis=1, keepdims=True)
    i1 = jnp.min(jnp.where(masked == m1, lane_e, E), axis=1, keepdims=True)
    sel1 = lane_e == i1

    e1 = jnp.exp(m1 - m0)
    denom = 1.0 + e1
    p0 = 1.0 / denom
    p1 = e1 / denom

    oh0 = sel0.astype(jnp.float32)
    oh1 = sel1.astype(jnp.float32)
    r = lax.broadcasted_iota(jnp.int32, (T, T), 0)
    c = lax.broadcasted_iota(jnp.int32, (T, T), 1)
    trilf = (r >= c).astype(jnp.float32)
    cum0 = lax.dot_general(trilf, oh0, (((1,), (0,)), ((), ())),
                           preferred_element_type=jnp.float32)
    cum1 = lax.dot_general(trilf, oh1, (((1,), (0,)), ((), ())),
                           preferred_element_type=jnp.float32)
    rank0 = jnp.sum(jnp.where(sel0, cum0 - 1.0, 0.0), axis=1, keepdims=True)
    tot0 = jnp.sum(oh0, axis=0, keepdims=True)
    rank1 = jnp.sum(jnp.where(sel1, cum1 - 1.0 + tot0, 0.0),
                    axis=1, keepdims=True)

    capf = jnp.float32(CAP)
    slot0 = jnp.where(rank0 < capf,
                      i0.astype(jnp.float32) * capf + rank0,
                      jnp.float32(SLOTS))
    slot1 = jnp.where(rank1 < capf,
                      i1.astype(jnp.float32) * capf + rank1,
                      jnp.float32(SLOTS))
    slot0_ref[...] = slot0.astype(jnp.int32)
    slot1_ref[...] = slot1.astype(jnp.int32)
    p0_ref[...] = p0
    p1_ref[...] = p1


def _route(x2, w_gate):
    T = NUM_TOKENS
    return pl.pallas_call(
        _route_body,
        out_shape=[
            jax.ShapeDtypeStruct((T, N_EXPERTS), jnp.float32),
            jax.ShapeDtypeStruct((T_PAD, D_MODEL), jnp.float32),
            jax.ShapeDtypeStruct((T, 1), jnp.int32),
            jax.ShapeDtypeStruct((T, 1), jnp.int32),
            jax.ShapeDtypeStruct((T, 1), jnp.float32),
            jax.ShapeDtypeStruct((T, 1), jnp.float32),
        ],
    )(x2, w_gate)


def _build_body(slot0_ref, slot1_ref, p0_ref, p1_ref,
                w_out_ref, mask_ref, acc_ref, idx_ref):
    g = pl.program_id(0)
    s0 = slot0_ref[...]
    s1 = slot1_ref[...]
    lane = lax.broadcasted_iota(jnp.int32, (TB, SLOTS), 1)
    W = (jnp.where(lane == s0, p0_ref[...], 0.0)
         + jnp.where(lane == s1, p1_ref[...], 0.0))
    w_out_ref[...] = W
    nz = W != 0.0
    mask_ref[...] = nz

    tok = (g * TB + 1
           + lax.broadcasted_iota(jnp.int32, (TB, 1), 0))
    contrib = jnp.sum(jnp.where(nz, tok, 0), axis=0, keepdims=True)

    @pl.when(g == 0)
    def _():
        acc_ref[...] = contrib

    @pl.when(g > 0)
    def _():
        acc_ref[...] = acc_ref[...] + contrib

    @pl.when(g == NG - 1)
    def _():
        a = acc_ref[...]
        idx_ref[...] = jnp.where(a > 0, a - 1, NUM_TOKENS)


def _build(slot0, slot1, p0, p1):
    T = NUM_TOKENS
    col = pl.BlockSpec((TB, 1), lambda g: (g, 0))
    full = pl.BlockSpec((1, SLOTS), lambda g: (0, 0))
    return pl.pallas_call(
        _build_body,
        grid=(NG,),
        in_specs=[col, col, col, col],
        out_specs=[
            pl.BlockSpec((TB, SLOTS), lambda g: (g, 0)),
            pl.BlockSpec((TB, SLOTS), lambda g: (g, 0)),
            full,
            full,
        ],
        out_shape=[
            jax.ShapeDtypeStruct((T, SLOTS), jnp.float32),
            jax.ShapeDtypeStruct((T, SLOTS), jnp.bool_),
            jax.ShapeDtypeStruct((1, SLOTS), jnp.int32),
            jax.ShapeDtypeStruct((1, SLOTS), jnp.int32),
        ],
    )(slot0, slot1, p0, p1)


def _gather_body(xpad_hbm, idx_hbm, out_hbm, idx_v, rows_v, sem):
    wid = lax.axis_index("s") * SC_CORES + lax.axis_index("c")
    base = wid * ROWS_PER_W
    for ch in range(ROWS_PER_W // ROW_CHUNK):
        off = base + ch * ROW_CHUNK
        pltpu.sync_copy(idx_hbm.at[pl.ds(off, ROW_CHUNK)], idx_v)
        pltpu.async_copy(xpad_hbm.at[idx_v], rows_v, sem).wait()
        pltpu.sync_copy(rows_v, out_hbm.at[pl.ds(off, ROW_CHUNK)])


@functools.cache
def _make_gather():
    return pl.kernel(
        _gather_body,
        mesh=plsc.VectorSubcoreMesh(core_axis_name="c", subcore_axis_name="s",
                                    num_cores=SC_CORES),
        out_type=jax.ShapeDtypeStruct((SLOTS, D_MODEL), jnp.float32),
        scratch_types=[
            pltpu.VMEM((ROW_CHUNK,), jnp.int32),
            pltpu.VMEM((ROW_CHUNK, D_MODEL), jnp.float32),
            pltpu.SemaphoreType.DMA,
        ],
    )


@jax.jit
def kernel(x, w_gate):
    b, s, d = x.shape
    x2 = x.reshape(b * s, d)
    logits, xpad, slot0, slot1, p0, p1 = _route(x2, w_gate)
    weights, mask, _acc, idx = _build(slot0, slot1, p0, p1)
    batches = _make_gather()(xpad, idx.reshape(SLOTS))
    return (weights.reshape(NUM_TOKENS, N_EXPERTS, CAP),
            mask.reshape(NUM_TOKENS, N_EXPERTS, CAP),
            batches.reshape(N_EXPERTS, CAP, D_MODEL),
            logits.reshape(b, s, N_EXPERTS))

# --- scband reference (transcript-rebuilt; emitter-appended) ---
"""Pipeline reference for scband-mo-erouter-12043088298372 (READ-ONLY COPY).

The authoritative reference and input builder live on the scoring server;
editing this copy changes nothing except your own understanding.
"""

import jax, jax.numpy as jnp
import numpy as np
import math

D_MODEL = 1024
N_EXPERTS = 16
TOP_K = 2
CAP_FACTOR = 1.25
B, S = 1, 2048


def _capacity(num_tokens):
    cap = math.floor(TOP_K * CAP_FACTOR * num_tokens / N_EXPERTS)
    cap += cap % 2
    return max(int(cap), 2)


def setup_inputs(seed: int = 0) -> dict:
    key = jax.random.key(seed)
    k1, k2 = jax.random.split(key)
    x = jax.random.normal(k1, (B, S, D_MODEL), dtype=jnp.float32)
    # nn.Linear(d_model, n_experts, bias=False) weight: [n_experts, d_model]
    w_gate = jax.random.normal(k2, (N_EXPERTS, D_MODEL), dtype=jnp.float32) / math.sqrt(D_MODEL)
    return {"x": x, "w_gate": w_gate}


def reference(x, w_gate):
    b, s, d = x.shape
    num_tokens = b * s
    x32 = x.astype(jnp.float32)
    # router logits: x @ w_gate.T
    router_logits = jnp.einsum('bsd,ed->bse', x32, w_gate)
    # eval mode: noisy gating disabled (self.training is False)
    top_k_logits, top_k_indices = jax.lax.top_k(router_logits, TOP_K)  # [B,S,k]
    # scatter top-k logits into a -inf tensor; since values are the original logits,
    # this equals masking non-top-k entries with -inf
    sel = jnp.sum(jax.nn.one_hot(top_k_indices, N_EXPERTS, dtype=jnp.float32), axis=-2) > 0  # [B,S,E]
    router_probs = jnp.where(sel, router_logits, -jnp.inf)
    router_probs = jax.nn.softmax(router_probs, axis=-1)
    capacity = _capacity(num_tokens)
    expert_mask = jax.nn.one_hot(top_k_indices.reshape(num_tokens, TOP_K), N_EXPERTS, dtype=jnp.int32)  # [T,k,E]
    expert_mask = jnp.transpose(expert_mask, (1, 0, 2))  # [k,T,E]
    expert_rank = jnp.cumsum(expert_mask.reshape(TOP_K * num_tokens, N_EXPERTS), axis=0) - 1
    expert_rank = expert_rank.reshape(TOP_K, num_tokens, N_EXPERTS)
    expert_mask = expert_mask * (expert_rank < capacity).astype(jnp.int32)
    expert_rank = jnp.sum(expert_mask * expert_rank, axis=-1)  # [k,T]
    router_probs_flat = router_probs.reshape(num_tokens, N_EXPERTS)[None, :, :]  # [1,T,E]
    expert_weights_kte = expert_mask.astype(jnp.float32) * router_probs_flat  # [k,T,E]
    rank_oh = jax.nn.one_hot(expert_rank, capacity, dtype=jnp.float32)  # [k,T,cap]
    # sum_k expert_weights[k,t,e] * rank_oh[k,t,c] -> [T,E,cap]
    expert_weights = jnp.einsum('kte,ktc->tec', expert_weights_kte, rank_oh)
    expert_mask_out = expert_weights.astype(bool)
    x_flat = x32.reshape(num_tokens, d)
    # [E,cap,T] @ [T,D] -> [E,cap,D]
    expert_batches = jnp.einsum('tec,td->ecd', expert_mask_out.astype(x32.dtype), x_flat)
    return expert_weights, expert_mask_out, expert_batches, router_logits

if __name__ == "__main__":
    import jax
    _d = setup_inputs()
    print(jax.jit(kernel)(*tuple(_d.values())))

</pallas_src>

<mosaic_0001>
#map = affine_map<(d0, d1) -> (0, 0)>
#map1 = affine_map<(d0, d1) -> (0)>
module attributes {stable_mosaic.version = 14 : i64} {
  func.func @_gather_body(%arg0: i32, %arg1: i32, %arg2: memref<2056x1024xf32, #tpu.memory_space<hbm>>, %arg3: memref<5120xi32, #tpu.memory_space<hbm>>, %arg4: memref<5120x1024xf32, #tpu.memory_space<hbm>>, %arg5: memref<80xi32, #tpu.memory_space<vmem>>, %arg6: memref<80x1024xf32, #tpu.memory_space<vmem>>, %arg7: memref<!tpu.dma_semaphore, #tpu.memory_space<semaphore_mem>>) attributes {dimension_semantics = [#tpu.dimension_semantics<core_parallel>, #tpu.dimension_semantics<subcore_parallel>], iteration_bounds = array<i64: 2, 16>, scalar_prefetch = 0 : i64, scratch_operands = 3 : i64, tpu.core_type = #tpu.core_type<sc_vector_subcore>, window_params = [{transform_indices = #map}, {transform_indices = #map1}, {transform_indices = #map}]} {
    %mul3A = arith.constant 2 : i32
    %mul3A_0 = arith.muli %arg1, %mul3A : i32
    %add3A = arith.addi %mul3A_0, %arg0 : i32
    %mul3A_1 = arith.constant 160 : i32
    %mul3A_2 = arith.muli %add3A, %mul3A_1 : i32
    %add3A_3 = arith.constant 0 : i32
    %add3A_4 = arith.addi %mul3A_2, %add3A_3 : i32
    "tpu.region"() ({
      %run_scoped3A = tpu.sem_alloc : memref<!tpu.dma_semaphore, #tpu.memory_space<semaphore_mem>>
      %dma_start3A_17 = tpu.memref_slice %arg3[%add3A_4] : memref<5120xi32, #tpu.memory_space<hbm>> -> memref<80xi32, #tpu.memory_space<hbm>>
      %dma_start3A_18 = tpu.memref_slice %arg3[%add3A_4] : memref<5120xi32, #tpu.memory_space<hbm>> -> memref<80xi32, #tpu.memory_space<hbm>>
      tpu.enqueue_dma source(%dma_start3A_18 : memref<80xi32, #tpu.memory_space<hbm>>) target(%arg5 : memref<80xi32, #tpu.memory_space<vmem>>) target_semaphore(%run_scoped3A : memref<!tpu.dma_semaphore, #tpu.memory_space<semaphore_mem>>)
      %dma_wait3A_19 = tpu.memref_slice %arg3[%add3A_4] : memref<5120xi32, #tpu.memory_space<hbm>> -> memref<80xi32, #tpu.memory_space<hbm>>
      %dma_wait3A_20 = tpu.memref_slice %arg3[%add3A_4] : memref<5120xi32, #tpu.memory_space<hbm>> -> memref<80xi32, #tpu.memory_space<hbm>>
      tpu.wait_dma2 semaphore(%run_scoped3A : memref<!tpu.dma_semaphore, #tpu.memory_space<semaphore_mem>>) src(%dma_wait3A_20 : memref<80xi32, #tpu.memory_space<hbm>>) dst(%arg5 : memref<80xi32, #tpu.memory_space<vmem>>)
      tpu.yield
    }) : () -> ()
    %dma_start3A = arith.constant 0 : i32
    %dma_start3A_5 = arith.constant 0 : i32
    %dma_start3A_6 = tpu.memref_slice %arg2[%dma_start3A, %dma_start3A_5] : memref<2056x1024xf32, #tpu.memory_space<hbm>> -> memref<2056x1024xf32, #tpu.memory_space<hbm>>
    tpu.enqueue_indirect_dma source(%dma_start3A_6 : memref<2056x1024xf32, #tpu.memory_space<hbm>>) target(%arg6 : memref<80x1024xf32, #tpu.memory_space<vmem>>) offsets(%arg5 : memref<80xi32, #tpu.memory_space<vmem>>) semaphore(%arg7 : memref<!tpu.dma_semaphore, #tpu.memory_space<semaphore_mem>>)
    %dma_wait3A = arith.constant 0 : i32
    %dma_wait3A_7 = arith.constant 0 : i32
    %dma_wait3A_8 = tpu.memref_slice %arg2[%dma_wait3A, %dma_wait3A_7] : memref<2056x1024xf32, #tpu.memory_space<hbm>> -> memref<2056x1024xf32, #tpu.memory_space<hbm>>
    tpu.wait_indirect_dma semaphore(%arg7 : memref<!tpu.dma_semaphore, #tpu.memory_space<semaphore_mem>>) src(%dma_wait3A_8 : memref<2056x1024xf32, #tpu.memory_space<hbm>>) dst(%arg6 : memref<80x1024xf32, #tpu.memory_space<vmem>>)
    "tpu.region"() ({
      %run_scoped3A = tpu.sem_alloc : memref<!tpu.dma_semaphore, #tpu.memory_space<semaphore_mem>>
      %dma_start3A_17 = arith.constant 0 : i32
      %dma_start3A_18 = tpu.memref_slice %arg4[%add3A_4, %dma_start3A_17] : memref<5120x1024xf32, #tpu.memory_space<hbm>> -> memref<80x1024xf32, #tpu.memory_space<hbm>>
      %dma_start3A_19 = arith.constant 0 : i32
      %dma_start3A_20 = tpu.memref_slice %arg4[%add3A_4, %dma_start3A_19] : memref<5120x1024xf32, #tpu.memory_space<hbm>> -> memref<80x1024xf32, #tpu.memory_space<hbm>>
      tpu.enqueue_dma source(%arg6 : memref<80x1024xf32, #tpu.memory_space<vmem>>) target(%dma_start3A_20 : memref<80x1024xf32, #tpu.memory_space<hbm>>) target_semaphore(%run_scoped3A : memref<!tpu.dma_semaphore, #tpu.memory_space<semaphore_mem>>)
      %dma_wait3A_21 = arith.constant 0 : i32
      %dma_wait3A_22 = tpu.memref_slice %arg4[%add3A_4, %dma_wait3A_21] : memref<5120x1024xf32, #tpu.memory_space<hbm>> -> memref<80x1024xf32, #tpu.memory_space<hbm>>
      %dma_wait3A_23 = arith.constant 0 : i32
      %dma_wait3A_24 = tpu.memref_slice %arg4[%add3A_4, %dma_wait3A_23] : memref<5120x1024xf32, #tpu.memory_space<hbm>> -> memref<80x1024xf32, #tpu.memory_space<hbm>>
      tpu.wait_dma2 semaphore(%run_scoped3A : memref<!tpu.dma_semaphore, #tpu.memory_space<semaphore_mem>>) src(%arg6 : memref<80x1024xf32, #tpu.memory_space<vmem>>) dst(%dma_wait3A_24 : memref<80x1024xf32, #tpu.memory_space<hbm>>)
      tpu.yield
    }) : () -> ()
    %add3A_9 = arith.constant 80 : i32
    %add3A_10 = arith.addi %mul3A_2, %add3A_9 : i32
    "tpu.region"() ({
      %run_scoped3A = tpu.sem_alloc : memref<!tpu.dma_semaphore, #tpu.memory_space<semaphore_mem>>
      %dma_start3A_17 = tpu.memref_slice %arg3[%add3A_10] : memref<5120xi32, #tpu.memory_space<hbm>> -> memref<80xi32, #tpu.memory_space<hbm>>
      %dma_start3A_18 = tpu.memref_slice %arg3[%add3A_10] : memref<5120xi32, #tpu.memory_space<hbm>> -> memref<80xi32, #tpu.memory_space<hbm>>
      tpu.enqueue_dma source(%dma_start3A_18 : memref<80xi32, #tpu.memory_space<hbm>>) target(%arg5 : memref<80xi32, #tpu.memory_space<vmem>>) target_semaphore(%run_scoped3A : memref<!tpu.dma_semaphore, #tpu.memory_space<semaphore_mem>>)
      %dma_wait3A_19 = tpu.memref_slice %arg3[%add3A_10] : memref<5120xi32, #tpu.memory_space<hbm>> -> memref<80xi32, #tpu.memory_space<hbm>>
      %dma_wait3A_20 = tpu.memref_slice %arg3[%add3A_10] : memref<5120xi32, #tpu.memory_space<hbm>> -> memref<80xi32, #tpu.memory_space<hbm>>
      tpu.wait_dma2 semaphore(%run_scoped3A : memref<!tpu.dma_semaphore, #tpu.memory_space<semaphore_mem>>) src(%dma_wait3A_20 : memref<80xi32, #tpu.memory_space<hbm>>) dst(%arg5 : memref<80xi32, #tpu.memory_space<vmem>>)
      tpu.yield
    }) : () -> ()
    %dma_start3A_11 = arith.constant 0 : i32
    %dma_start3A_12 = arith.constant 0 : i32
    %dma_start3A_13 = tpu.memref_slice %arg2[%dma_start3A_11, %dma_start3A_12] : memref<2056x1024xf32, #tpu.memory_space<hbm>> -> memref<2056x1024xf32, #tpu.memory_space<hbm>>
    tpu.enqueue_indirect_dma source(%dma_start3A_13 : memref<2056x1024xf32, #tpu.memory_space<hbm>>) target(%arg6 : memref<80x1024xf32, #tpu.memory_space<vmem>>) offsets(%arg5 : memref<80xi32, #tpu.memory_space<vmem>>) semaphore(%arg7 : memref<!tpu.dma_semaphore, #tpu.memory_space<semaphore_mem>>)
    %dma_wait3A_14 = arith.constant 0 : i32
    %dma_wait3A_15 = arith.constant 0 : i32
    %dma_wait3A_16 = tpu.memref_slice %arg2[%dma_wait3A_14, %dma_wait3A_15] : memref<2056x1024xf32, #tpu.memory_space<hbm>> -> memref<2056x1024xf32, #tpu.memory_space<hbm>>
    tpu.wait_indirect_dma semaphore(%arg7 : memref<!tpu.dma_semaphore, #tpu.memory_space<semaphore_mem>>) src(%dma_wait3A_16 : memref<2056x1024xf32, #tpu.memory_space<hbm>>) dst(%arg6 : memref<80x1024xf32, #tpu.memory_space<vmem>>)
    "tpu.region"() ({
      %run_scoped3A = tpu.sem_alloc : memref<!tpu.dma_semaphore, #tpu.memory_space<semaphore_mem>>
      %dma_start3A_17 = arith.constant 0 : i32
      %dma_start3A_18 = tpu.memref_slice %arg4[%add3A_10, %dma_start3A_17] : memref<5120x1024xf32, #tpu.memory_space<hbm>> -> memref<80x1024xf32, #tpu.memory_space<hbm>>
      %dma_start3A_19 = arith.constant 0 : i32
      %dma_start3A_20 = tpu.memref_slice %arg4[%add3A_10, %dma_start3A_19] : memref<5120x1024xf32, #tpu.memory_space<hbm>> -> memref<80x1024xf32, #tpu.memory_space<hbm>>
      tpu.enqueue_dma source(%arg6 : memref<80x1024xf32, #tpu.memory_space<vmem>>) target(%dma_start3A_20 : memref<80x1024xf32, #tpu.memory_space<hbm>>) target_semaphore(%run_scoped3A : memref<!tpu.dma_semaphore, #tpu.memory_space<semaphore_mem>>)
      %dma_wait3A_21 = arith.constant 0 : i32
      %dma_wait3A_22 = tpu.memref_slice %arg4[%add3A_10, %dma_wait3A_21] : memref<5120x1024xf32, #tpu.memory_space<hbm>> -> memref<80x1024xf32, #tpu.memory_space<hbm>>
      %dma_wait3A_23 = arith.constant 0 : i32
      %dma_wait3A_24 = tpu.memref_slice %arg4[%add3A_10, %dma_wait3A_23] : memref<5120x1024xf32, #tpu.memory_space<hbm>> -> memref<80x1024xf32, #tpu.memory_space<hbm>>
      tpu.wait_dma2 semaphore(%run_scoped3A : memref<!tpu.dma_semaphore, #tpu.memory_space<semaphore_mem>>) src(%arg6 : memref<80x1024xf32, #tpu.memory_space<vmem>>) dst(%dma_wait3A_24 : memref<80x1024xf32, #tpu.memory_space<hbm>>)
      tpu.yield
    }) : () -> ()
    return
  }
}

module attributes {stable_mosaic.version = 14 : i64} {
  func.func @_build_body(%arg0: i32, %arg1: memref<256x1xi32, #tpu.memory_space<vmem>>, %arg2: memref<256x1xi32, #tpu.memory_space<vmem>>, %arg3: memref<256x1xf32, #tpu.memory_space<vmem>>, %arg4: memref<256x1xf32, #tpu.memory_space<vmem>>, %arg5: memref<256x5120xf32, #tpu.memory_space<vmem>>, %arg6: memref<256x5120xi32, #tpu.memory_space<vmem>>, %arg7: memref<1x5120xi32, #tpu.memory_space<vmem>>, %arg8: memref<1x5120xi32, #tpu.memory_space<vmem>>) attributes {dimension_semantics = [#tpu.dimension_semantics<arbitrary>], iteration_bounds = array<i64: 8>, scalar_prefetch = 0 : i64, scratch_operands = 0 : i64, tpu.core_type = #tpu.core_type<tc>, window_params = [{transform_indices = @transform_0, window_bounds = array<i64: 256, 1>}, {transform_indices = @transform_1, window_bounds = array<i64: 256, 1>}, {transform_indices = @transform_2, window_bounds = array<i64: 256, 1>}, {transform_indices = @transform_3, window_bounds = array<i64: 256, 1>}, {transform_indices = @transform_4, window_bounds = array<i64: 256, 5120>}, {transform_indices = @transform_5, window_bounds = array<i64: 256, 5120>}, {pipeline_mode = #tpu.pipeline_mode<synchronous>, transform_indices = @transform_6, window_bounds = array<i64: 1, 5120>}, {pipeline_mode = #tpu.pipeline_mode<synchronous>, transform_indices = @transform_7, window_bounds = array<i64: 1, 5120>}]} {
    %get3A = arith.constant 0 : index
    %get3A_0 = arith.constant 0 : index
    %get3A_1 = vector.load %arg1[%get3A, %get3A_0] : memref<256x1xi32, #tpu.memory_space<vmem>>, vector<256x1xi32>
    %get3A_2 = arith.constant 0 : index
    %get3A_3 = arith.constant 0 : index
    %get3A_4 = vector.load %arg2[%get3A_2, %get3A_3] : memref<256x1xi32, #tpu.memory_space<vmem>>, vector<256x1xi32>
    %iota3A = tpu.iota {dimensions = array<i32: 1>} : vector<256x5120xi32>
    %eq3A = vector.broadcast %get3A_1 : vector<256x1xi32> to vector<256x5120xi32>
    %eq3A_5 = arith.cmpi eq, %iota3A, %eq3A : vector<256x5120xi32>
    %get3A_6 = arith.constant 0 : index
    %get3A_7 = arith.constant 0 : index
    %get3A_8 = vector.load %arg3[%get3A_6, %get3A_7] : memref<256x1xf32, #tpu.memory_space<vmem>>, vector<256x1xf32>
    %jit3A = arith.constant 0.000000e+00 : f32
    %broadcast_in_dim3A = vector.shape_cast %get3A_8 : vector<256x1xf32> to vector<256x1xf32>
    %broadcast_in_dim3A_9 = vector.broadcast %broadcast_in_dim3A : vector<256x1xf32> to vector<256x5120xf32>
    %broadcast_in_dim3A_10 = vector.broadcast %jit3A : f32 to vector<256x5120xf32>
    %select_n3A = arith.select %eq3A_5, %broadcast_in_dim3A_9, %broadcast_in_dim3A_10 : vector<256x5120xi1>, vector<256x5120xf32>
    %eq3A_11 = vector.broadcast %get3A_4 : vector<256x1xi32> to vector<256x5120xi32>
    %eq3A_12 = arith.cmpi eq, %iota3A, %eq3A_11 : vector<256x5120xi32>
    %get3A_13 = arith.constant 0 : index
    %get3A_14 = arith.constant 0 : index
    %get3A_15 = vector.load %arg4[%get3A_13, %get3A_14] : memref<256x1xf32, #tpu.memory_space<vmem>>, vector<256x1xf32>
    %jit3A_16 = arith.constant 0.000000e+00 : f32
    %broadcast_in_dim3A_17 = vector.shape_cast %get3A_15 : vector<256x1xf32> to vector<256x1xf32>
    %broadcast_in_dim3A_18 = vector.broadcast %broadcast_in_dim3A_17 : vector<256x1xf32> to vector<256x5120xf32>
    %broadcast_in_dim3A_19 = vector.broadcast %jit3A_16 : f32 to vector<256x5120xf32>
    %select_n3A_20 = arith.select %eq3A_12, %broadcast_in_dim3A_18, %broadcast_in_dim3A_19 : vector<256x5120xi1>, vector<256x5120xf32>
    %add3A = arith.addf %select_n3A, %select_n3A_20 : vector<256x5120xf32>
    %swap3A = arith.constant 0 : index
    %swap3A_21 = arith.constant 0 : index
    %swap3A_22 = vector.load %arg5[%swap3A, %swap3A_21] : memref<256x5120xf32, #tpu.memory_space<vmem>>, vector<256x5120xf32>
    tpu.vector_store %arg5[%swap3A, %swap3A_21], %add3A {strides = array<i32>} : memref<256x5120xf32, #tpu.memory_space<vmem>>, vector<256x5120xf32>,
    %ne3A = arith.constant 0.000000e+00 : f32
    %ne3A_23 = vector.broadcast %ne3A : f32 to vector<256x5120xf32>
    %ne3A_24 = arith.cmpf one, %add3A, %ne3A_23 : vector<256x5120xf32>
    %swap3A_25 = arith.constant 0 : index
    %swap3A_26 = arith.constant 0 : index
    %swap3A_27 = vector.load %arg6[%swap3A_25, %swap3A_26] : memref<256x5120xi32, #tpu.memory_space<vmem>>, vector<256x5120xi32>
    %swap3A_28 = arith.extui %ne3A_24 : vector<256x5120xi1> to vector<256x5120xi32>
    %swap3A_29 = arith.constant dense<0> : vector<256x5120xi32>
    %swap3A_30 = arith.cmpi ne, %swap3A_27, %swap3A_29 : vector<256x5120xi32>
    tpu.vector_store %arg6[%swap3A_25, %swap3A_26], %swap3A_28 {strides = array<i32>} : memref<256x5120xi32, #tpu.memory_space<vmem>>, vector<256x5120xi32>,
    %mul3A = arith.constant 256 : i32
    %mul3A_31 = arith.muli %arg0, %mul3A : i32
    %add3A_32 = arith.constant 1 : i32
    %add3A_33 = arith.addi %mul3A_31, %add3A_32 : i32
    %iota3A_34 = tpu.iota {dimensions = array<i32: 0>} : vector<256x1xi32>
    %add3A_35 = vector.broadcast %add3A_33 : i32 to vector<256x1xi32>
    %add3A_36 = arith.addi %add3A_35, %iota3A_34 : vector<256x1xi32>
    %jit3A_37 = arith.constant 0 : i32
    %broadcast_in_dim3A_38 = vector.shape_cast %add3A_36 : vector<256x1xi32> to vector<256x1xi32>
    %broadcast_in_dim3A_39 = vector.broadcast %broadcast_in_dim3A_38 : vector<256x1xi32> to vector<256x5120xi32>
    %broadcast_in_dim3A_40 = vector.broadcast %jit3A_37 : i32 to vector<256x5120xi32>
    %select_n3A_41 = arith.select %ne3A_24, %broadcast_in_dim3A_39, %broadcast_in_dim3A_40 : vector<256x5120xi1>, vector<256x5120xi32>
    %reduce_sum3A = arith.constant dense<0> : vector<5120xi32>
    %reduce_sum3A_42 = vector.multi_reduction <add>, %select_n3A_41, %reduce_sum3A [0] : vector<256x5120xi32> to vector<5120xi32>
    %broadcast_in_dim3A_43 = vector.shape_cast %reduce_sum3A_42 : vector<5120xi32> to vector<1x5120xi32>
    %eq3A_44 = arith.constant 0 : i32
    %eq3A_45 = arith.cmpi eq, %arg0, %eq3A_44 : i32
    %convert_element_type3A = arith.extui %eq3A_45 : i1 to i32
    %cond3A = arith.constant 0 : i32
    %cond3A_46 = arith.cmpi ne, %convert_element_type3A, %cond3A : i32
    scf.if %cond3A_46 {
      %swap3A_56 = arith.constant 0 : index
      %swap3A_57 = arith.constant 0 : index
      %swap3A_58 = vector.load %arg7[%swap3A_56, %swap3A_57] : memref<1x5120xi32, #tpu.memory_space<vmem>>, vector<1x5120xi32>
      tpu.vector_store %arg7[%swap3A_56, %swap3A_57], %broadcast_in_dim3A_43 {strides = array<i32>} : memref<1x5120xi32, #tpu.memory_space<vmem>>, vector<1x5120xi32>,
    } else {
    }
    %gt3A = arith.constant 0 : i32
    %gt3A_47 = arith.cmpi sgt, %arg0, %gt3A : i32
    %convert_element_type3A_48 = arith.extui %gt3A_47 : i1 to i32
    %cond3A_49 = arith.constant 0 : i32
    %cond3A_50 = arith.cmpi ne, %convert_element_type3A_48, %cond3A_49 : i32
    scf.if %cond3A_50 {
      %get3A_56 = arith.constant 0 : index
      %get3A_57 = arith.constant 0 : index
      %get3A_58 = vector.load %arg7[%get3A_56, %get3A_57] : memref<1x5120xi32, #tpu.memory_space<vmem>>, vector<1x5120xi32>
      %add3A_59 = arith.addi %get3A_58, %broadcast_in_dim3A_43 : vector<1x5120xi32>
      %swap3A_60 = arith.constant 0 : index
      %swap3A_61 = arith.constant 0 : index
      %swap3A_62 = vector.load %arg7[%swap3A_60, %swap3A_61] : memref<1x5120xi32, #tpu.memory_space<vmem>>, vector<1x5120xi32>
      tpu.vector_store %arg7[%swap3A_60, %swap3A_61], %add3A_59 {strides = array<i32>} : memref<1x5120xi32, #tpu.memory_space<vmem>>, vector<1x5120xi32>,
    } else {
    }
    %eq3A_51 = arith.constant 7 : i32
    %eq3A_52 = arith.cmpi eq, %arg0, %eq3A_51 : i32
    %convert_element_type3A_53 = arith.extui %eq3A_52 : i1 to i32
    %cond3A_54 = arith.constant 0 : i32
    %cond3A_55 = arith.cmpi ne, %convert_element_type3A_53, %cond3A_54 : i32
    scf.if %cond3A_55 {
      %get3A_56 = arith.constant 0 : index
      %get3A_57 = arith.constant 0 : index
      %get3A_58 = vector.load %arg7[%get3A_56, %get3A_57] : memref<1x5120xi32, #tpu.memory_space<vmem>>, vector<1x5120xi32>
      %gt3A_59 = arith.constant 0 : i32
      %gt3A_60 = vector.broadcast %gt3A_59 : i32 to vector<1x5120xi32>
      %gt3A_61 = arith.cmpi sgt, %get3A_58, %gt3A_60 : vector<1x5120xi32>
      %sub3A = arith.constant 1 : i32
      %sub3A_62 = vector.broadcast %sub3A : i32 to vector<1x5120xi32>
      %sub3A_63 = arith.subi %get3A_58, %sub3A_62 : vector<1x5120xi32>
      %jit3A_64 = arith.constant 2048 : i32
      %broadcast_in_dim3A_65 = vector.broadcast %jit3A_64 : i32 to vector<1x5120xi32>
      %select_n3A_66 = arith.select %gt3A_61, %sub3A_63, %broadcast_in_dim3A_65 : vector<1x5120xi1>, vector<1x5120xi32>
      %swap3A_67 = arith.constant 0 : index
      %swap3A_68 = arith.constant 0 : index
      %swap3A_69 = vector.load %arg8[%swap3A_67, %swap3A_68] : memref<1x5120xi32, #tpu.memory_space<vmem>>, vector<1x5120xi32>
      tpu.vector_store %arg8[%swap3A_67, %swap3A_68], %select_n3A_66 {strides = array<i32>} : memref<1x5120xi32, #tpu.memory_space<vmem>>, vector<1x5120xi32>,
    } else {
    }
    return
  }
  func.func @transform_0(%arg0: i32) -> (i32, i32) {
    %c0_i32 = arith.constant 0 : i32
    %c0_i32_0 = arith.constant 0 : i32
    return %arg0, %c0_i32 : i32, i32
  }
  func.func @transform_1(%arg0: i32) -> (i32, i32) {
    %c0_i32 = arith.constant 0 : i32
    %c0_i32_0 = arith.constant 0 : i32
    return %arg0, %c0_i32 : i32, i32
  }
  func.func @transform_2(%arg0: i32) -> (i32, i32) {
    %c0_i32 = arith.constant 0 : i32
    %c0_i32_0 = arith.constant 0 : i32
    return %arg0, %c0_i32 : i32, i32
  }
  func.func @transform_3(%arg0: i32) -> (i32, i32) {
    %c0_i32 = arith.constant 0 : i32
    %c0_i32_0 = arith.constant 0 : i32
    return %arg0, %c0_i32 : i32, i32
  }
  func.func @transform_4(%arg0: i32) -> (i32, i32) {
    %c0_i32 = arith.constant 0 : i32
    %c0_i32_0 = arith.constant 0 : i32
    return %arg0, %c0_i32 : i32, i32
  }
  func.func @transform_5(%arg0: i32) -> (i32, i32) {
    %c0_i32 = arith.constant 0 : i32
    %c0_i32_0 = arith.constant 0 : i32
    return %arg0, %c0_i32 : i32, i32
  }
  func.func @transform_6(%arg0: i32) -> (i32, i32) {
    %c0_i32 = arith.constant 0 : i32
    %c0_i32_0 = arith.constant 0 : i32
    %c0_i32_1 = arith.constant 0 : i32
    return %c0_i32, %c0_i32_0 : i32, i32
  }
  func.func @transform_7(%arg0: i32) -> (i32, i32) {
    %c0_i32 = arith.constant 0 : i32
    %c0_i32_0 = arith.constant 0 : i32
    %c0_i32_1 = arith.constant 0 : i32
    return %c0_i32, %c0_i32_0 : i32, i32
  }
}

module attributes {stable_mosaic.version = 14 : i64} {
  func.func @_route_body(%arg0: memref<2048x1024xf32, #tpu.memory_space<vmem>>, %arg1: memref<16x1024xf32, #tpu.memory_space<vmem>>, %arg2: memref<2048x16xf32, #tpu.memory_space<vmem>>, %arg3: memref<2056x1024xf32, #tpu.memory_space<vmem>>, %arg4: memref<2048x1xi32, #tpu.memory_space<vmem>>, %arg5: memref<2048x1xi32, #tpu.memory_space<vmem>>, %arg6: memref<2048x1xf32, #tpu.memory_space<vmem>>, %arg7: memref<2048x1xf32, #tpu.memory_space<vmem>>) attributes {dimension_semantics = [], scalar_prefetch = 0 : i64, scratch_operands = 0 : i64, tpu.core_type = #tpu.core_type<tc>} {
    %get3A = arith.constant 0 : index
    %get3A_0 = arith.constant 0 : index
    %get3A_1 = vector.load %arg0[%get3A, %get3A_0] : memref<2048x1024xf32, #tpu.memory_space<vmem>>, vector<2048x1024xf32>
    %swap3A = arith.constant 0 : index
    %swap3A_2 = arith.constant 0 : index
    %swap3A_3 = vector.load %arg3[%swap3A, %swap3A_2] : memref<2056x1024xf32, #tpu.memory_space<vmem>>, vector<2048x1024xf32>
    tpu.vector_store %arg3[%swap3A, %swap3A_2], %get3A_1 {strides = array<i32>} : memref<2056x1024xf32, #tpu.memory_space<vmem>>, vector<2048x1024xf32>,
    %broadcast_in_dim3A = arith.constant 0.000000e+00 : f32
    %broadcast_in_dim3A_4 = vector.broadcast %broadcast_in_dim3A : f32 to vector<8x1024xf32>
    %swap3A_5 = arith.constant 2048 : index
    %swap3A_6 = arith.constant 0 : index
    %swap3A_7 = vector.load %arg3[%swap3A_5, %swap3A_6] : memref<2056x1024xf32, #tpu.memory_space<vmem>>, vector<8x1024xf32>
    tpu.vector_store %arg3[%swap3A_5, %swap3A_6], %broadcast_in_dim3A_4 {strides = array<i32>} : memref<2056x1024xf32, #tpu.memory_space<vmem>>, vector<8x1024xf32>,
    %get3A_8 = arith.constant 0 : index
    %get3A_9 = arith.constant 0 : index
    %get3A_10 = vector.load %arg1[%get3A_8, %get3A_9] : memref<16x1024xf32, #tpu.memory_space<vmem>>, vector<16x1024xf32>
    %dot_general3A = arith.constant dense<0.000000e+00> : vector<2048x16xf32>
    %dot_general3A_11 = tpu.matmul %get3A_1, %get3A_10, %dot_general3A {dimension_numbers = #tpu.dot_dimension_numbers<[1], [1], [0], [0], [0, 0, 1, 0], [], []>, transpose_lhs_hint = false} : vector<2048x1024xf32>, vector<16x1024xf32>, vector<2048x16xf32> -> vector<2048x16xf32>
    %swap3A_12 = arith.constant 0 : index
    %swap3A_13 = arith.constant 0 : index
    %swap3A_14 = vector.load %arg2[%swap3A_12, %swap3A_13] : memref<2048x16xf32, #tpu.memory_space<vmem>>, vector<2048x16xf32>
    tpu.vector_store %arg2[%swap3A_12, %swap3A_13], %dot_general3A_11 {strides = array<i32>} : memref<2048x16xf32, #tpu.memory_space<vmem>>, vector<2048x16xf32>,
    %iota3A = tpu.iota {dimensions = array<i32: 1>} : vector<2048x16xi32>
    %reduce_max3A = arith.constant dense<0xFF800000> : vector<2048xf32>
    %reduce_max3A_15 = vector.multi_reduction <maximumf>, %dot_general3A_11, %reduce_max3A [1] : vector<2048x16xf32> to vector<2048xf32>
    %broadcast_in_dim3A_16 = vector.shape_cast %reduce_max3A_15 : vector<2048xf32> to vector<2048x1xf32>
    %eq3A = vector.broadcast %broadcast_in_dim3A_16 : vector<2048x1xf32> to vector<2048x16xf32>
    %eq3A_17 = arith.cmpf oeq, %dot_general3A_11, %eq3A : vector<2048x16xf32>
    %jit3A = arith.constant 16 : i32
    %broadcast_in_dim3A_18 = vector.broadcast %jit3A : i32 to vector<2048x16xi32>
    %select_n3A = arith.select %eq3A_17, %iota3A, %broadcast_in_dim3A_18 : vector<2048x16xi1>, vector<2048x16xi32>
    %reduce_min3A = arith.constant dense<2147483647> : vector<2048xi32>
    %reduce_min3A_19 = vector.multi_reduction <minsi>, %select_n3A, %reduce_min3A [1] : vector<2048x16xi32> to vector<2048xi32>
    %broadcast_in_dim3A_20 = vector.shape_cast %reduce_min3A_19 : vector<2048xi32> to vector<2048x1xi32>
    %eq3A_21 = vector.broadcast %broadcast_in_dim3A_20 : vector<2048x1xi32> to vector<2048x16xi32>
    %eq3A_22 = arith.cmpi eq, %iota3A, %eq3A_21 : vector<2048x16xi32>
    %jit3A_23 = arith.constant 0xFF800000 : f32
    %broadcast_in_dim3A_24 = vector.broadcast %jit3A_23 : f32 to vector<2048x16xf32>
    %select_n3A_25 = arith.select %eq3A_22, %broadcast_in_dim3A_24, %dot_general3A_11 : vector<2048x16xi1>, vector<2048x16xf32>
    %reduce_max3A_26 = arith.constant dense<0xFF800000> : vector<2048xf32>
    %reduce_max3A_27 = vector.multi_reduction <maximumf>, %select_n3A_25, %reduce_max3A_26 [1] : vector<2048x16xf32> to vector<2048xf32>
    %broadcast_in_dim3A_28 = vector.shape_cast %reduce_max3A_27 : vector<2048xf32> to vector<2048x1xf32>
    %eq3A_29 = vector.broadcast %broadcast_in_dim3A_28 : vector<2048x1xf32> to vector<2048x16xf32>
    %eq3A_30 = arith.cmpf oeq, %select_n3A_25, %eq3A_29 : vector<2048x16xf32>
    %jit3A_31 = arith.constant 16 : i32
    %broadcast_in_dim3A_32 = vector.broadcast %jit3A_31 : i32 to vector<2048x16xi32>
    %select_n3A_33 = arith.select %eq3A_30, %iota3A, %broadcast_in_dim3A_32 : vector<2048x16xi1>, vector<2048x16xi32>
    %reduce_min3A_34 = arith.constant dense<2147483647> : vector<2048xi32>
    %reduce_min3A_35 = vector.multi_reduction <minsi>, %select_n3A_33, %reduce_min3A_34 [1] : vector<2048x16xi32> to vector<2048xi32>
    %broadcast_in_dim3A_36 = vector.shape_cast %reduce_min3A_35 : vector<2048xi32> to vector<2048x1xi32>
    %eq3A_37 = vector.broadcast %broadcast_in_dim3A_36 : vector<2048x1xi32> to vector<2048x16xi32>
    %eq3A_38 = arith.cmpi eq, %iota3A, %eq3A_37 : vector<2048x16xi32>
    %sub3A = arith.subf %broadcast_in_dim3A_28, %broadcast_in_dim3A_16 : vector<2048x1xf32>
    %exp3A = math.exp %sub3A : vector<2048x1xf32>
    %add3A = arith.constant 1.000000e+00 : f32
    %add3A_39 = vector.broadcast %add3A : f32 to vector<2048x1xf32>
    %add3A_40 = arith.addf %add3A_39, %exp3A : vector<2048x1xf32>
    %div3A = arith.constant 1.000000e+00 : f32
    %div3A_41 = vector.broadcast %div3A : f32 to vector<2048x1xf32>
    %div3A_42 = arith.divf %div3A_41, %add3A_40 : vector<2048x1xf32>
    %div3A_43 = arith.divf %exp3A, %add3A_40 : vector<2048x1xf32>
    %convert_element_type3A = arith.extui %eq3A_22 : vector<2048x16xi1> to vector<2048x16xi32>
    %convert_element_type3A_44 = arith.sitofp %convert_element_type3A : vector<2048x16xi32> to vector<2048x16xf32>
    %convert_element_type3A_45 = arith.extui %eq3A_38 : vector<2048x16xi1> to vector<2048x16xi32>
    %convert_element_type3A_46 = arith.sitofp %convert_element_type3A_45 : vector<2048x16xi32> to vector<2048x16xf32>
    %iota3A_47 = tpu.iota {dimensions = array<i32: 0>} : vector<2048x2048xi32>
    %iota3A_48 = tpu.iota {dimensions = array<i32: 1>} : vector<2048x2048xi32>
    %ge3A = arith.cmpi sge, %iota3A_47, %iota3A_48 : vector<2048x2048xi32>
    %convert_element_type3A_49 = arith.extui %ge3A : vector<2048x2048xi1> to vector<2048x2048xi32>
    %convert_element_type3A_50 = arith.sitofp %convert_element_type3A_49 : vector<2048x2048xi32> to vector<2048x2048xf32>
    %dot_general3A_51 = arith.constant dense<0.000000e+00> : vector<2048x16xf32>
    %dot_general3A_52 = tpu.matmul %convert_element_type3A_50, %convert_element_type3A_44, %dot_general3A_51 {dimension_numbers = #tpu.dot_dimension_numbers<[1], [0], [0], [1], [0, 0, 1, 1], [], []>, transpose_lhs_hint = false} : vector<2048x2048xf32>, vector<2048x16xf32>, vector<2048x16xf32> -> vector<2048x16xf32>
    %dot_general3A_53 = arith.constant dense<0.000000e+00> : vector<2048x16xf32>
    %dot_general3A_54 = tpu.matmul %convert_element_type3A_50, %convert_element_type3A_46, %dot_general3A_53 {dimension_numbers = #tpu.dot_dimension_numbers<[1], [0], [0], [1], [0, 0, 1, 1], [], []>, transpose_lhs_hint = false} : vector<2048x2048xf32>, vector<2048x16xf32>, vector<2048x16xf32> -> vector<2048x16xf32>
    %sub3A_55 = arith.constant 1.000000e+00 : f32
    %sub3A_56 = vector.broadcast %sub3A_55 : f32 to vector<2048x16xf32>
    %sub3A_57 = arith.subf %dot_general3A_52, %sub3A_56 : vector<2048x16xf32>
    %jit3A_58 = arith.constant 0.000000e+00 : f32
    %broadcast_in_dim3A_59 = vector.broadcast %jit3A_58 : f32 to vector<2048x16xf32>
    %select_n3A_60 = arith.select %eq3A_22, %sub3A_57, %broadcast_in_dim3A_59 : vector<2048x16xi1>, vector<2048x16xf32>
    %reduce_sum3A = arith.constant dense<0.000000e+00> : vector<2048xf32>
    %reduce_sum3A_61 = vector.multi_reduction <add>, %select_n3A_60, %reduce_sum3A [1] : vector<2048x16xf32> to vector<2048xf32>
    %broadcast_in_dim3A_62 = vector.shape_cast %reduce_sum3A_61 : vector<2048xf32> to vector<2048x1xf32>
    %reduce_sum3A_63 = arith.constant dense<0.000000e+00> : vector<16xf32>
    %reduce_sum3A_64 = vector.multi_reduction <add>, %convert_element_type3A_44, %reduce_sum3A_63 [0] : vector<2048x16xf32> to vector<16xf32>
    %broadcast_in_dim3A_65 = vector.shape_cast %reduce_sum3A_64 : vector<16xf32> to vector<1x16xf32>
    %sub3A_66 = arith.constant 1.000000e+00 : f32
    %sub3A_67 = vector.broadcast %sub3A_66 : f32 to vector<2048x16xf32>
    %sub3A_68 = arith.subf %dot_general3A_54, %sub3A_67 : vector<2048x16xf32>
    %add3A_69 = vector.broadcast %broadcast_in_dim3A_65 : vector<1x16xf32> to vector<2048x16xf32>
    %add3A_70 = arith.addf %sub3A_68, %add3A_69 : vector<2048x16xf32>
    %jit3A_71 = arith.constant 0.000000e+00 : f32
    %broadcast_in_dim3A_72 = vector.broadcast %jit3A_71 : f32 to vector<2048x16xf32>
    %select_n3A_73 = arith.select %eq3A_38, %add3A_70, %broadcast_in_dim3A_72 : vector<2048x16xi1>, vector<2048x16xf32>
    %reduce_sum3A_74 = arith.constant dense<0.000000e+00> : vector<2048xf32>
    %reduce_sum3A_75 = vector.multi_reduction <add>, %select_n3A_73, %reduce_sum3A_74 [1] : vector<2048x16xf32> to vector<2048xf32>
    %broadcast_in_dim3A_76 = vector.shape_cast %reduce_sum3A_75 : vector<2048xf32> to vector<2048x1xf32>
    %lt3A = arith.constant 3.200000e+02 : f32
    %lt3A_77 = vector.broadcast %lt3A : f32 to vector<2048x1xf32>
    %lt3A_78 = arith.cmpf olt, %broadcast_in_dim3A_62, %lt3A_77 : vector<2048x1xf32>
    %convert_element_type3A_79 = arith.sitofp %broadcast_in_dim3A_20 : vector<2048x1xi32> to vector<2048x1xf32>
    %mul3A = arith.constant 3.200000e+02 : f32
    %mul3A_80 = vector.broadcast %mul3A : f32 to vector<2048x1xf32>
    %mul3A_81 = arith.mulf %convert_element_type3A_79, %mul3A_80 : vector<2048x1xf32>
    %add3A_82 = arith.addf %mul3A_81, %broadcast_in_dim3A_62 : vector<2048x1xf32>
    %jit3A_83 = arith.constant 5.120000e+03 : f32
    %broadcast_in_dim3A_84 = vector.broadcast %jit3A_83 : f32 to vector<2048x1xf32>
    %select_n3A_85 = arith.select %lt3A_78, %add3A_82, %broadcast_in_dim3A_84 : vector<2048x1xi1>, vector<2048x1xf32>
    %lt3A_86 = arith.constant 3.200000e+02 : f32
    %lt3A_87 = vector.broadcast %lt3A_86 : f32 to vector<2048x1xf32>
    %lt3A_88 = arith.cmpf olt, %broadcast_in_dim3A_76, %lt3A_87 : vector<2048x1xf32>
    %convert_element_type3A_89 = arith.sitofp %broadcast_in_dim3A_36 : vector<2048x1xi32> to vector<2048x1xf32>
    %mul3A_90 = arith.constant 3.200000e+02 : f32
    %mul3A_91 = vector.broadcast %mul3A_90 : f32 to vector<2048x1xf32>
    %mul3A_92 = arith.mulf %convert_element_type3A_89, %mul3A_91 : vector<2048x1xf32>
    %add3A_93 = arith.addf %mul3A_92, %broadcast_in_dim3A_76 : vector<2048x1xf32>
    %jit3A_94 = arith.constant 5.120000e+03 : f32
    %broadcast_in_dim3A_95 = vector.broadcast %jit3A_94 : f32 to vector<2048x1xf32>
    %select_n3A_96 = arith.select %lt3A_88, %add3A_93, %broadcast_in_dim3A_95 : vector<2048x1xi1>, vector<2048x1xf32>
    %convert_element_type3A_97 = arith.fptosi %select_n3A_85 : vector<2048x1xf32> to vector<2048x1xi32>
    %swap3A_98 = arith.constant 0 : index
    %swap3A_99 = arith.constant 0 : index
    %swap3A_100 = vector.load %arg4[%swap3A_98, %swap3A_99] : memref<2048x1xi32, #tpu.memory_space<vmem>>, vector<2048x1xi32>
    tpu.vector_store %arg4[%swap3A_98, %swap3A_99], %convert_element_type3A_97 {strides = array<i32>} : memref<2048x1xi32, #tpu.memory_space<vmem>>, vector<2048x1xi32>,
    %convert_element_type3A_101 = arith.fptosi %select_n3A_96 : vector<2048x1xf32> to vector<2048x1xi32>
    %swap3A_102 = arith.constant 0 : index
    %swap3A_103 = arith.constant 0 : index
    %swap3A_104 = vector.load %arg5[%swap3A_102, %swap3A_103] : memref<2048x1xi32, #tpu.memory_space<vmem>>, vector<2048x1xi32>
    tpu.vector_store %arg5[%swap3A_102, %swap3A_103], %convert_element_type3A_101 {strides = array<i32>} : memref<2048x1xi32, #tpu.memory_space<vmem>>, vector<2048x1xi32>,
    %swap3A_105 = arith.constant 0 : index
    %swap3A_106 = arith.constant 0 : index
    %swap3A_107 = vector.load %arg6[%swap3A_105, %swap3A_106] : memref<2048x1xf32, #tpu.memory_space<vmem>>, vector<2048x1xf32>
    tpu.vector_store %arg6[%swap3A_105, %swap3A_106], %div3A_42 {strides = array<i32>} : memref<2048x1xf32, #tpu.memory_space<vmem>>, vector<2048x1xf32>,
    %swap3A_108 = arith.constant 0 : index
    %swap3A_109 = arith.constant 0 : index
    %swap3A_110 = vector.load %arg7[%swap3A_108, %swap3A_109] : memref<2048x1xf32, #tpu.memory_space<vmem>>, vector<2048x1xf32>
    tpu.vector_store %arg7[%swap3A_108, %swap3A_109], %div3A_43 {strides = array<i32>} : memref<2048x1xf32, #tpu.memory_space<vmem>>, vector<2048x1xf32>,
    return
  }
}

</mosaic_0001>

<sc_bundles>
// kernel: kernel.5.cloned.1.call-start
scs
__scs_entry_jumppad:
0x0: {  	(pc) =	sbr.rel $0x88, $3  }
0x1: {  	(tag) =	ssettag $0x0;
	lr =	simm.s32 $0x1  }
0x2: {  	[smem:$0x3F9F] =	sst lr;
	_ =	strace $0xD0000000  }
0x3: {  	_ = 	snop  }
0x4: {  	_ = 	snop  }
0x5: {  	_ = 	snop  }
0x6: {  	_ = 	snop  }
0x7: {  	_ = 	snop  }
__scs_overlays_trampoline_lowered:
0x8: {  	[smem:$0x3FAE] =	sst s0  }
0x9: {  	[smem:$0x3FAF] =	sst s1  }
0xa: {  	[smem:$0x3FB0] =	sst s2  }
0xb: {  	[smem:$0x3FB1] =	sst s3  }
0xc: {  	[smem:$0x3FB2] =	sst s4  }
0xd: {  	[smem:$0x3FB3] =	sst s5  }
0xe: {  	[smem:$0x3FB4] =	sst s6  }
0xf: {  	[smem:$0x3FB5] =	sst s7  }
0x10: {  	[smem:$0x3FB6] =	sst s8  }
0x11: {  	[smem:$0x3FB7] =	sst s9;
	s0 =	simm.s32 @!p0 $0x0  }
0x12: {  	s1 =	sld [smem:$0x3F9D];
	s0 =	simm.s32 @p0 $0x1  }
0x13: {  	[smem:$0x3FB8] =	sst s0;
	s0 =	simm.s32 @!p1 $0x0  }
0x14: {  	s2 =	sld [smem:$0x3F9C];
	s0 =	simm.s32 @p1 $0x1  }
0x15: {  	[smem:$0x3FB9] =	sst s0;
	s0 =	simm.s32 @!p2 $0x0  }
0x16: {  	s3 =	sld [smem:$0x3FDB];
	s0 =	simm.s32 @p2 $0x1  }
0x17: {  	s4 =	simm.s32 $0x1BF5;
	[smem:$0x3FBB] =	sst s0  }
0x18: {  	s0 =	sld [smem:$0x3F9E];
	_ =	swait.ge [sflag:s4], $0x0  }
0x19: {  	s7 =	sld [smem:$0x3F9F]  }
0x1a: {  	s8 =	sadd.s32 $0xFFFFE003, lr  }
0x1b: {  	s9 =	sadd.s32 $0xFFFFFEF7, lr;
	s5 =	simm.s32 $0xFFFFFFFF;
	p2 =	slt.u32 s8, $0xFFFFF086  }
0x1c: {  	p1 =	slt.u32 s9, $0xF7A;
	s5 =	simm.s32 @!p2 $0x0  }
0x1d: {  	s5 =	simm.s32 @p1 $0x1;
	p0 =	seq.s32 s7, s2  }
0x1e: {  	s7 =	smul.u32 @!p0 $0xF7A, s2;
	p2 =	seq.s32 @!p0 s5, $0x0  }
0x1f: {  	s9 =	smul.u32 $0xF7A, s1;
	s8 =	simm.s32 @!p0 $0x1BF5;
	p2 =	por !p2, p0  }
0x20: {  	[sflag:s8] =	ssyncset.s32 @!p0 $0xFFFFF086;
	s6 =	sadd.s32 @!p0 s3, s7;
	s7 =	simm.s32 @!p0 $0x108  }
0x21: {  	s3 =	sadd.s32 s3, s9;
	s6 =	sadd.s32 @!p0 $0x88, s6;
	s7 =	simm.s32 @p2 $0x1082  }
0x22: {  	[simem:s7], [sflag:s8] =	dma.local @!p0 [hbm:s6], $0xF7A  }
0x23: {  	s9 =	sor.u32 $0xD0000000, s2;
	s6 =	simm.s32 $0x108;
	_ =	swait.ge @!p0 [sflag:s8], $0x0  }
0x24: {  	s3 =	sadd.s32 $0x88, s3;
	s6 =	simm.s32 @!p1 $0x1082;
	[sflag:s4] =	ssyncset.s32 $0xFFFFF086  }
0x25: {  	[simem:s6], [sflag:s4] =	dma.local [hbm:s3], $0xF7A  }
0x26: {  	[smem:$0x3F9F] =	sst s1;
	(tag) =	ssettag s2;
	_ =	strace s9  }
0x27: {  	s1 =	sld [smem:$0x3FAF]  }
0x28: {  	s2 =	sld [smem:$0x3FB0]  }
0x29: {  	s4 =	sld [smem:$0x3FB2]  }
0x2a: {  	p0 =	seq.s32 s5, $0x0;
	s5 =	sld [smem:$0x3FB3]  }
0x2b: {  	s6 =	sld [smem:$0x3FB4]  }
0x2c: {  	s7 =	sld [smem:$0x3FB5]  }
0x2d: {  	s3 =	simm.s32 $0x108;
	s8 =	sld [smem:$0x3FB6]  }
0x2e: {  	s3 =	simm.s32 @!p0 $0x1082;
	s9 =	sld [smem:$0x3FB7]  }
0x2f: {  	lr =	sadd.s32 s0, s3;
	s0 =	sld [smem:$0x3FAE]  }
0x30: {  	s3 =	sld [smem:$0x3FB1]  }
0x31: {  	[smem:$0x3FBA] =	sst s10  }
0x32: {  	s10 =	sld [smem:$0x3FB8];
	_ =	sdelay $0x3  }
0x33: {  	p0 =	seq.s32 s10, $0x1;
	s10 =	sld [smem:$0x3FBA];
	_ =	sdelay $0x3  }
0x34: {  	[smem:$0x3FBA] =	sst s10  }
0x35: {  	s10 =	sld [smem:$0x3FB9];
	_ =	sdelay $0x3  }
0x36: {  	p1 =	seq.s32 s10, $0x1;
	s10 =	sld [smem:$0x3FBA];
	_ =	sdelay $0x3  }
0x37: {  	[smem:$0x3FBA] =	sst s10  }
0x38: {  	s10 =	sld [smem:$0x3FBB]  }
0x39: {  	_ = 	snop;
	(pc) =	sbr.ind lr, $3  }
0x3a: {  	_ = 	snop  }
0x3b: {  	_ = 	snop  }
0x3c: {  	p2 =	seq.s32 s10, $0x1;
	s10 =	sld [smem:$0x3FBA]  }
0x3d: {  	_ =	shalt  }
0x3e: {  	_ =	shalt  }
0x3f: {  	_ =	shalt  }
0x40: {  	_ =	shalt  }
0x41: {  	_ =	shalt  }
0x42: {  	_ =	shalt  }
0x43: {  	_ =	shalt  }
0x44: {  	_ =	shalt  }
0x45: {  	_ =	shalt  }
0x46: {  	_ =	shalt  }
0x47: {  	_ =	shalt  }
0x48: {  	_ =	shalt  }
0x49: {  	_ =	shalt  }
0x4a: {  	_ =	shalt  }
0x4b: {  	_ =	shalt  }
0x4c: {  	_ =	shalt  }
0x4d: {  	_ =	shalt  }
0x4e: {  	_ =	shalt  }
0x4f: {  	_ =	shalt  }
0x50: {  	_ =	shalt  }
0x51: {  	_ =	shalt  }
0x52: {  	_ =	shalt  }
0x53: {  	_ =	shalt  }
0x54: {  	_ =	shalt  }
0x55: {  	_ =	shalt  }
0x56: {  	_ =	shalt  }
0x57: {  	_ =	shalt  }
0x58: {  	_ =	shalt  }
0x59: {  	_ =	shalt  }
0x5a: {  	_ =	shalt  }
0x5b: {  	_ =	shalt  }
0x5c: {  	_ =	shalt  }
0x5d: {  	_ =	shalt  }
0x5e: {  	_ =	shalt  }
0x5f: {  	_ =	shalt  }
0x60: {  	_ =	shalt  }
0x61: {  	_ =	shalt  }
0x62: {  	_ =	shalt  }
0x63: {  	_ =	shalt  }
0x64: {  	_ =	shalt  }
0x65: {  	_ =	shalt  }
0x66: {  	_ =	shalt  }
0x67: {  	_ =	shalt  }
0x68: {  	_ =	shalt  }
0x69: {  	_ =	shalt  }
0x6a: {  	_ =	shalt  }
0x6b: {  	_ =	shalt  }
0x6c: {  	_ =	shalt  }
0x6d: {  	_ =	shalt  }
0x6e: {  	_ =	shalt  }
0x6f: {  	_ =	shalt  }
0x70: {  	_ =	shalt  }
0x71: {  	_ =	shalt  }
0x72: {  	_ =	shalt  }
0x73: {  	_ =	shalt  }
0x74: {  	_ =	shalt  }
0x75: {  	_ =	shalt  }
0x76: {  	_ =	shalt  }
0x77: {  	_ =	shalt  }
0x78: {  	_ =	shalt  }
0x79: {  	_ =	shalt  }
0x7a: {  	_ =	shalt  }
0x7b: {  	_ =	shalt  }
0x7c: {  	_ =	shalt  }
0x7d: {  	_ =	shalt  }
0x7e: {  	_ =	shalt  }
0x7f: {  	_ =	shalt  }
0x80: {  	_ =	shalt  }
0x81: {  	_ =	shalt  }
0x82: {  	_ =	shalt  }
0x83: {  	_ =	shalt  }
0x84: {  	_ =	shalt  }
0x85: {  	_ =	shalt  }
0x86: {  	_ =	shalt  }
0x87: {  	_ =	shalt  }
.Lfunc_end0:
.L_simem_size_0:
called_computation_lowered:
.L_overlay_start_0:
0x88: {  	s2 =	sld [smem:$0x3FD9]  }
0x89: {  	s3 =	sld [smem:$0x3FFE];
	_ =	sdelay $0x1  }
0x8a: {  	s1 =	srdreg.scid  }
0x8b: {  	s0 =	sand.u32 $0x1, s1  }
0x8c: {  	s14 =	sshll.u32 s0, $0xA;
	s2 =	sadd.s32 s3, s2  }
0x8d: {  	s2 =	sadd.s32 s2, s14  }
0x8e: {  	[smem:$0x3FC6] =	sst s2  }
0x8f: {  	_ = 	snop  }
0x90: {  	s2 =	sld [smem:$0x3FD0];
	_ =	sdelay $0x2  }
0x91: {  	s15 =	simm.s32 $0xA;
	s4 =	simm.s32 $0x10  }
0x92: {  	[smem:s4], [sflag:s15] =	dma.local [hbm:s2], $0x1  }
0x93: {  	_ =	swait.eq [sflag:s15], $0x1  }
0x94: {  	[sflag:s15] =	ssyncset.done $0x0  }
0x95: {  	[sflag:s15] =	ssyncadd.s32 $0xFFFFFFFF  }
0x96: {  	s16 =	sld [smem:$0x12];
	(tm) =	ssettm $0x1  }
0x97: {  	s17 =	sld [smem:$0x3FFB];
	_ =	sdelay $0x3  }
0x98: {  	_ =	strace s17  }
0x99: {  	s3 =	sld [smem:$0x3FFC];
	_ =	sdelay $0x3  }
0x9a: {  	_ =	strace s3  }
0x9b: {  	s3 =	sld [smem:$0x3FFD];
	_ =	sdelay $0x3  }
0x9c: {  	_ =	strace s3  }
0x9d: {  	_ =	strace $0x8FFFFFFF  }
0x9e: {  	s18 =	sld [smem:$0x3FDB];
	_ =	sdelay $0x1  }
0x9f: {  	s19 =	simm.s32 $_scs_section_size  }
0xa0: {  	s5 =	simm.s32 $_size__tile_overlayer_lowered;
	s6 =	simm.s32 $_tile_overlayer_lowered  }
0xa1: {  	s22 =	simm.s32 $0x1BFF;
	s21 =	sshll.u32 s6, $0x1;
	s3 =	sadd.s32 s19, s18  }
0xa2: {  	s7 =	simm.s32 $0x0;
	s20 =	sshll.u32 s5, $0x1;
	s5 =	sadd.s32 s21, s3  }
0xa3: {  	[timem:s7], [sflag:s22] =	dma.local [hbm:s5], s20  }
0xa4: {  	_ =	swait.ge [sflag:s22], s20  }
0xa5: {  	s4 =	ssub.s32 $0x0, s20;
	[sflag:s22] =	ssyncset.done $0x0  }
0xa6: {  	[sflag:s22] =	ssyncadd.s32 s4;
	_ =	sdelay $0x1  }
0xa7: {  	s23 =	simm.s32 $0x1B8B  }
0xa8: {  	_ =	swait.ge [sflag:s23], $0x1  }
0xa9: {  	[sflag:s23] =	ssyncset.done $0x0  }
0xaa: {  	s25 =	simm.s32 $0x1B8E;
	s24 =	sld [smem:$0x3FFE];
	[sflag:s23] =	ssyncadd.s32 $0xFFFFFFFF  }
0xab: {  	s26 =	simm.s32 $execute0_lowered;
	[smem:$0x3FD2] =	sst s25  }
0xac: {  	s5 =	sshll.u32 s26, $0x1;
	_ =	strace $0x80000046;
	[dreg:$0x1] =	wrdreg $0xFFFFFFFF  }
0xad: {  	s28 =	simm.s32 $_size_execute0_lowered;
	s3 =	sadd.s32 s3, s5;
	[dreg:$0x0] =	wrdreg $0x0  }
0xae: {  	s5 =	sshll.u32 s28, $0x1;
	[dreg:$0x2] =	wrdreg s3  }
0xaf: {  	[dreg:$0x3] =	wrdreg s5  }
0xb0: {  	[dreg:$0x4] =	wrdreg $0xC0  }
0xb1: {  	_ =	task [dreg:s7], $0x5FFFF  }
0xb2: {  	[dreg:$0x1] =	wrdreg $0xFFFFFFFF  }
0xb3: {  	[dreg:$0x0] =	wrdreg $0x60  }
0xb4: {  	[dreg:$0x2] =	wrdreg s24  }
0xb5: {  	[dreg:$0x3] =	wrdreg s16  }
0xb6: {  	[dreg:$0x4] =	wrdreg $0x9  }
0xb7: {  	_ =	task.clear_ibuf [dreg:s7], $0x5FFFF;
	_ =	strace $0x90000046  }
0xb8: {  	s29 =	simm.s32 $0x9;
	_ =	strace $0x80000048  }
0xb9: {  	_ =	swait.ge [sflag:s29], $0x1  }
0xba: {  	[sflag:s29] =	ssyncadd.s32 $0xFFFFFFFF  }
0xbb: {  	_ =	strace $0x90000048  }
0xbc: {  	_ =	sfence  }
0xbd: {  	s30 =	sld [smem:$0x0];
	_ =	sdelay $0x2  }
0xbe: {  	s31 =	sshll.u32 s1, $0xD;
	s1 =	sshrl.u32 s1, $0x2  }
0xbf: {  	s3 =	sand.u32 $0x4000, s31;
	s1 =	sadd.s32 s1, s30  }
0xc0: {  	s0 =	sor.u32 s3, s0;
	s1 =	sshll.u32 s1, $0x11  }
0xc1: {  	s0 =	sor.u32 s1, s0  }
0xc2: {  	s0 =	sadd.s32 $0x8F2B, s0  }
0xc3: {  	[sflag:s0] =	ssyncadd.remote.s32 $0x1  }
0xc4: {  	_ =	sfence.sel $0xFFFF  }
0xc5: {  	[dreg:$0x0] =	wrdreg $0xFFFFFFFF;
	(pc) =	sbr.abs _section_cstart, $3  }
0xc6: {  	[dreg:$0x1] =	wrdreg $0xFFFFFFFF  }
0xc7: {  	_ =	task.clear_ibuf [dreg:s7], $0x2FFFF;
	_ =	strace $0x9FFFFFFF  }
0xc8: {  	(tm) =	ssettm $0x7FFFFFFF  }
0xc9: {  	_ =	shalt  }
tec
execute0_lowered:
.L_overlay_start_1:
0x0: {  	(tag) =	ssettag $0x1  }
0x1: {  	s0 =	rddreg [dreg:$0x0];
	s1 =	srdreg.scid  }
0x2: {  	s2 =	stileid.u32;
	s6 =	rddreg [dreg:$0x1]  }
0x3: {  	s29 =	simm.s32 $0x880;
	s30 =	simm.s32 $0x1080;
	s31 =	simm.s32 $0x1880  }
0x4: {  	s11 =	simm.s32 $0x3880;
	s12 =	simm.s32 $0x4080;
	s13 =	simm.s32 $0x4880  }
0x5: {  	s14 =	simm.s32 $0x5080;
	s15 =	simm.s32 $0x5880;
	s16 =	simm.s32 $0x6080  }
0x6: {  	s17 =	simm.s32 $0x6880;
	s18 =	simm.s32 $0x7080;
	s19 =	simm.s32 $0x7880  }
0x7: {  	s20 =	simm.s32 $0x8080;
	s21 =	simm.s32 $0x8880;
	s22 =	simm.s32 $0x9080  }
0x8: {  	s23 =	simm.s32 $0x9880;
	s1 =	sand.u32 $0x1, s1;
	s3 =	sshll.u32 s2, $0x1  }
0x9: {  	s2 =	simm.s32 $0x0;
	s7 =	sadd.s32 $0x181400, s0;
	s4 =	sor.u32 s1, s3  }
0xa: {  	[smem:$0x7FF] =	sst s2;
	s1 =	ssub.s32 $0x2, s1;
	s5 =	smul.u32 $0xA0, s4  }
0xb: {  	s3 =	sadd.s32 $0x1000, s0;
	s9 =	sshrl.u32 s1, $0x1;
	s10 =	smul.u32 $0x5000, s4  }
0xc: {  	_ =	strace $0x80000047;
	s4 =	sadd.s32 $0x1100, s0;
	s1 =	ssub.s32 s1, s9  }
0xd: {  	s8 =	sshrl.u32 s5, $0x3;
	s5 =	sadd.s32 $0x50, s5;
	s24 =	sadd.s32 s6, s10  }
0xe: {  	s10 =	simm.s32 $0x3080;
	s8 =	sadd.s32 s7, s8;
	s25 =	sshrl.u32 s5, $0x3  }
0xf: {  	[dreg:$0x4] =	wrdreg s24;
	s26 =	sshll.u32 s5, $0x7;
	s5 =	sadd.s32 $0x1200, s0  }
0x10: {  	s24 =	simm.s32 $0xA080;
	[dreg:$0x3] =	wrdreg s8;
	s7 =	sadd.s32 s7, s25  }
0x11: {  	v2 =	vlaneseq.u32;
	s28 =	sadd.s32 s6, s26;
	s6 =	sadd.s32 $0x1300, s0;
	s8 =	simm.s32 $0x2  }
0x12: {  	vm0 =	vmmov $0xffff;
	v1 =	vshrl.u32 v2, $0x3;
	s26 =	simm.s32 $0x1;
	s0 =	simm.s32 $0x80;
	[dreg:$0x5] =	wrdreg s7  }
0x13: {  	v0 =	vand.u32 $0x7, v2;
	v2 =	vor.u32 $0x8, v2;
	v1 =	vmul.u32 $0x8, v1;
	s25 =	simm.s32 $0xA880;
	[dreg:$0x6] =	wrdreg s28;
	s7 =	smax.u32 s1, $0x1  }
.LBB2_1:
0x14: {  	s28 =	rddreg [dreg:$0x3]  }
0x15: {  	[tilespmem:s2], [sflag:$0x2] =	stream.linear.gather [hbm4b:s28+s2], $0x50, $0x38;
	[tilespmem:$0x14080] =	vst v63  }
0x16: {  	_ =	swait.ge [sflag:s8], $0x50  }
0x17: {  	[sflag:s8] =	ssyncset.done $0x0  }
0x18: {  	[sflag:s8] =	ssyncadd.s32 $0xFFFFFFB0  }
0x19: {  	v3 =	vld [tilespmem:$0x0];
	_ =	sdelay $0x4  }
0x1a: {  	v4 =	vshll.u32 v3, $0x3  }
0x1b: {  	v3 =	vand.u32 $0x7, v3;
	v4 =	vand.u32 $0xFFFFFFC0, v4  }
0x1c: {  	v3 =	vor.u32 v3, v4  }
0x1d: {  	v4 =	vperm.xlane v3, v0;
	_ =	sdelay $0x1  }
0x1e: {  	v4 =	vadd.s32 v1, v4;
	_ =	sdelay $0x4  }
0x1f: {  	[tilespmem:s0], [sflag:$0x1] =	stream.indirect_vreg.gather [hbm4b:s3+s2], $0x80, v4, vm0, $0xb8;
	[tilespmem:$0x14080] =	vst v63  }
0x20: {  	v3 =	vperm.xlane v3, v2  }
0x21: {  	[tilespmem:s29], [sflag:$0x1] =	stream.indirect_vreg.gather [hbm4b:s4+s2], $0x80, v4, vm0, $0xb8;
	[tilespmem:$0x14080] =	vst v63  }
0x22: {  	v3 =	vadd.s32 v1, v3  }
0x23: {  	[tilespmem:s30], [sflag:$0x1] =	stream.indirect_vreg.gather [hbm4b:s5+s2], $0x80, v4, vm0, $0xb8;
	[tilespmem:$0x14080] =	vst v63  }
0x24: {  	_ = 	snop  }
0x25: {  	[tilespmem:s31], [sflag:$0x1] =	stream.indirect_vreg.gather [hbm4b:s6+s2], $0x80, v4, vm0, $0xb8;
	[tilespmem:$0x14080] =	vst v63  }
0x26: {  	s1 =	simm.s32 $0x2080  }
0x27: {  	[tilespmem:s1], [sflag:$0x1] =	stream.indirect_vreg.gather [hbm4b:s3+s2], $0x80, v3, vm0, $0xb8;
	[tilespmem:$0x14080] =	vst v63  }
0x28: {  	s9 =	simm.s32 $0x2880  }
0x29: {  	[tilespmem:s9], [sflag:$0x1] =	stream.indirect_vreg.gather [hbm4b:s4+s2], $0x80, v3, vm0, $0xb8;
	[tilespmem:$0x14080] =	vst v63  }
0x2a: {  	_ = 	snop  }
0x2b: {  	[tilespmem:s10], [sflag:$0x1] =	stream.indirect_vreg.gather [hbm4b:s5+s2], $0x80, v3, vm0, $0xb8;
	[tilespmem:$0x14080] =	vst v63  }
0x2c: {  	_ = 	snop  }
0x2d: {  	[tilespmem:s11], [sflag:$0x1] =	stream.indirect_vreg.gather [hbm4b:s6+s2], $0x80, v3, vm0, $0xb8;
	[tilespmem:$0x14080] =	vst v63  }
0x2e: {  	v3 =	vld [tilespmem:$0x10];
	_ =	sdelay $0x4  }
0x2f: {  	v55 =	vshll.u32 v3, $0x3  }
0x30: {  	v3 =	vand.u32 $0x7, v3;
	v4 =	vand.u32 $0xFFFFFFC0, v55  }
0x31: {  	v3 =	vor.u32 v3, v4  }
0x32: {  	v4 =	vperm.xlane v3, v0;
	_ =	sdelay $0x1  }
0x33: {  	v4 =	vadd.s32 v1, v4;
	_ =	sdelay $0x4  }
0x34: {  	[tilespmem:s12], [sflag:$0x1] =	stream.indirect_vreg.gather [hbm4b:s3+s2], $0x80, v4, vm0, $0xb8;
	[tilespmem:$0x14080] =	vst v63  }
0x35: {  	v3 =	vperm.xlane v3, v2  }
0x36: {  	[tilespmem:s13], [sflag:$0x1] =	stream.indirect_vreg.gather [hbm4b:s4+s2], $0x80, v4, vm0, $0xb8;
	[tilespmem:$0x14080] =	vst v63  }
0x37: {  	v3 =	vadd.s32 v1, v3  }
0x38: {  	[tilespmem:s14], [sflag:$0x1] =	stream.indirect_vreg.gather [hbm4b:s5+s2], $0x80, v4, vm0, $0xb8;
	[tilespmem:$0x14080] =	vst v63  }
0x39: {  	_ = 	snop  }
0x3a: {  	[tilespmem:s15], [sflag:$0x1] =	stream.indirect_vreg.gather [hbm4b:s6+s2], $0x80, v4, vm0, $0xb8;
	[tilespmem:$0x14080] =	vst v63  }
0x3b: {  	_ = 	snop  }
0x3c: {  	[tilespmem:s16], [sflag:$0x1] =	stream.indirect_vreg.gather [hbm4b:s3+s2], $0x80, v3, vm0, $0xb8;
	[tilespmem:$0x14080] =	vst v63  }
0x3d: {  	_ = 	snop  }
0x3e: {  	[tilespmem:s17], [sflag:$0x1] =	stream.indirect_vreg.gather [hbm4b:s4+s2], $0x80, v3, vm0, $0xb8;
	[tilespmem:$0x14080] =	vst v63  }
0x3f: {  	_ = 	snop  }
0x40: {  	[tilespmem:s18], [sflag:$0x1] =	stream.indirect_vreg.gather [hbm4b:s5+s2], $0x80, v3, vm0, $0xb8;
	[tilespmem:$0x14080] =	vst v63  }
0x41: {  	_ = 	snop  }
0x42: {  	[tilespmem:s19], [sflag:$0x1] =	stream.indirect_vreg.gather [hbm4b:s6+s2], $0x80, v3, vm0, $0xb8;
	[tilespmem:$0x14080] =	vst v63  }
0x43: {  	v3 =	vld [tilespmem:$0x20];
	_ =	sdelay $0x4  }
0x44: {  	v56 =	vshll.u32 v3, $0x3  }
0x45: {  	v3 =	vand.u32 $0x7, v3;
	v4 =	vand.u32 $0xFFFFFFC0, v56  }
0x46: {  	v3 =	vor.u32 v3, v4  }
0x47: {  	v4 =	vperm.xlane v3, v0;
	_ =	sdelay $0x1  }
0x48: {  	v4 =	vadd.s32 v1, v4;
	_ =	sdelay $0x4  }
0x49: {  	[tilespmem:s20], [sflag:$0x1] =	stream.indirect_vreg.gather [hbm4b:s3+s2], $0x80, v4, vm0, $0xb8;
	[tilespmem:$0x14080] =	vst v63  }
0x4a: {  	v3 =	vperm.xlane v3, v2  }
0x4b: {  	[tilespmem:s21], [sflag:$0x1] =	stream.indirect_vreg.gather [hbm4b:s4+s2], $0x80, v4, vm0, $0xb8;
	[tilespmem:$0x14080] =	vst v63  }
0x4c: {  	v3 =	vadd.s32 v1, v3  }
0x4d: {  	[tilespmem:s22], [sflag:$0x1] =	stream.indirect_vreg.gather [hbm4b:s5+s2], $0x80, v4, vm0, $0xb8;
	[tilespmem:$0x14080] =	vst v63  }
0x4e: {  	_ = 	snop  }
0x4f: {  	[tilespmem:s23], [sflag:$0x1] =	stream.indirect_vreg.gather [hbm4b:s6+s2], $0x80, v4, vm0, $0xb8;
	[tilespmem:$0x14080] =	vst v63  }
0x50: {  	_ = 	snop  }
0x51: {  	[tilespmem:s24], [sflag:$0x1] =	stream.indirect_vreg.gather [hbm4b:s3+s2], $0x80, v3, vm0, $0xb8;
	[tilespmem:$0x14080] =	vst v63  }
0x52: {  	_ = 	snop  }
0x53: {  	[tilespmem:s25], [sflag:$0x1] =	stream.indirect_vreg.gather [hbm4b:s4+s2], $0x80, v3, vm0, $0xb8;
	[tilespmem:$0x14080] =	vst v63  }
0x54: {  	s9 =	simm.s32 $0xB080  }
0x55: {  	[tilespmem:s9], [sflag:$0x1] =	stream.indirect_vreg.gather [hbm4b:s5+s2], $0x80, v3, vm0, $0xb8;
	[tilespmem:$0x14080] =	vst v63  }
0x56: {  	s28 =	simm.s32 $0xB880  }
0x57: {  	[tilespmem:s28], [sflag:$0x1] =	stream.indirect_vreg.gather [hbm4b:s6+s2], $0x80, v3, vm0, $0xb8;
	[tilespmem:$0x14080] =	vst v63  }
0x58: {  	v3 =	vld [tilespmem:$0x30];
	_ =	sdelay $0x4  }
0x59: {  	v57 =	vshll.u32 v3, $0x3  }
0x5a: {  	v3 =	vand.u32 $0x7, v3;
	v4 =	vand.u32 $0xFFFFFFC0, v57  }
0x5b: {  	v3 =	vor.u32 v3, v4  }
0x5c: {  	v4 =	vperm.xlane v3, v0;
	_ =	sdelay $0x1  }
0x5d: {  	v4 =	vadd.s32 v1, v4;
	_ =	sdelay $0x3  }
0x5e: {  	s28 =	simm.s32 $0xC080  }
0x5f: {  	[tilespmem:s28], [sflag:$0x1] =	stream.indirect_vreg.gather [hbm4b:s3+s2], $0x80, v4, vm0, $0xb8;
	[tilespmem:$0x14080] =	vst v63  }
0x60: {  	v3 =	vperm.xlane v3, v2;
	s28 =	simm.s32 $0xC880  }
0x61: {  	[tilespmem:s28], [sflag:$0x1] =	stream.indirect_vreg.gather [hbm4b:s4+s2], $0x80, v4, vm0, $0xb8;
	[tilespmem:$0x14080] =	vst v63  }
0x62: {  	v3 =	vadd.s32 v1, v3;
	s28 =	simm.s32 $0xD080  }
0x63: {  	[tilespmem:s28], [sflag:$0x1] =	stream.indirect_vreg.gather [hbm4b:s5+s2], $0x80, v4, vm0, $0xb8;
	[tilespmem:$0x14080] =	vst v63  }
0x64: {  	s28 =	simm.s32 $0xD880  }
0x65: {  	[tilespmem:s28], [sflag:$0x1] =	stream.indirect_vreg.gather [hbm4b:s6+s2], $0x80, v4, vm0, $0xb8;
	[tilespmem:$0x14080] =	vst v63  }
0x66: {  	s28 =	simm.s32 $0xE080  }
0x67: {  	[tilespmem:s28], [sflag:$0x1] =	stream.indirect_vreg.gather [hbm4b:s3+s2], $0x80, v3, vm0, $0xb8;
	[tilespmem:$0x14080] =	vst v63  }
0x68: {  	s28 =	simm.s32 $0xE880  }
0x69: {  	[tilespmem:s28], [sflag:$0x1] =	stream.indirect_vreg.gather [hbm4b:s4+s2], $0x80, v3, vm0, $0xb8;
	[tilespmem:$0x14080] =	vst v63  }
0x6a: {  	s28 =	simm.s32 $0xF080  }
0x6b: {  	[tilespmem:s28], [sflag:$0x1] =	stream.indirect_vreg.gather [hbm4b:s5+s2], $0x80, v3, vm0, $0xb8;
	[tilespmem:$0x14080] =	vst v63  }
0x6c: {  	s28 =	simm.s32 $0xF880  }
0x6d: {  	[tilespmem:s28], [sflag:$0x1] =	stream.indirect_vreg.gather [hbm4b:s6+s2], $0x80, v3, vm0, $0xb8;
	[tilespmem:$0x14080] =	vst v63  }
0x6e: {  	v3 =	vld [tilespmem:$0x40];
	_ =	sdelay $0x4  }
0x6f: {  	v58 =	vshll.u32 v3, $0x3  }
0x70: {  	v3 =	vand.u32 $0x7, v3;
	v4 =	vand.u32 $0xFFFFFFC0, v58  }
0x71: {  	v3 =	vor.u32 v3, v4  }
0x72: {  	v4 =	vperm.xlane v3, v0;
	_ =	sdelay $0x1  }
0x73: {  	v4 =	vadd.s32 v1, v4;
	_ =	sdelay $0x3  }
0x74: {  	s28 =	simm.s32 $0x10080  }
0x75: {  	[tilespmem:s28], [sflag:$0x1] =	stream.indirect_vreg.gather [hbm4b:s3+s2], $0x80, v4, vm0, $0xb8;
	[tilespmem:$0x14080] =	vst v63  }
0x76: {  	v3 =	vperm.xlane v3, v2;
	s28 =	simm.s32 $0x10880  }
0x77: {  	[tilespmem:s28], [sflag:$0x1] =	stream.indirect_vreg.gather [hbm4b:s4+s2], $0x80, v4, vm0, $0xb8;
	[tilespmem:$0x14080] =	vst v63  }
0x78: {  	v3 =	vadd.s32 v1, v3;
	s28 =	simm.s32 $0x11080  }
0x79: {  	[tilespmem:s28], [sflag:$0x1] =	stream.indirect_vreg.gather [hbm4b:s5+s2], $0x80, v4, vm0, $0xb8;
	[tilespmem:$0x14080] =	vst v63  }
0x7a: {  	s28 =	simm.s32 $0x11880  }
0x7b: {  	[tilespmem:s28], [sflag:$0x1] =	stream.indirect_vreg.gather [hbm4b:s6+s2], $0x80, v4, vm0, $0xb8;
	[tilespmem:$0x14080] =	vst v63  }
0x7c: {  	s28 =	simm.s32 $0x12080  }
0x7d: {  	[tilespmem:s28], [sflag:$0x1] =	stream.indirect_vreg.gather [hbm4b:s3+s2], $0x80, v3, vm0, $0xb8;
	[tilespmem:$0x14080] =	vst v63  }
0x7e: {  	s28 =	simm.s32 $0x12880  }
0x7f: {  	[tilespmem:s28], [sflag:$0x1] =	stream.indirect_vreg.gather [hbm4b:s4+s2], $0x80, v3, vm0, $0xb8;
	[tilespmem:$0x14080] =	vst v63  }
0x80: {  	s28 =	simm.s32 $0x13080  }
0x81: {  	[tilespmem:s28], [sflag:$0x1] =	stream.indirect_vreg.gather [hbm4b:s5+s2], $0x80, v3, vm0, $0xb8;
	[tilespmem:$0x14080] =	vst v63  }
0x82: {  	s28 =	simm.s32 $0x13880  }
0x83: {  	[tilespmem:s28], [sflag:$0x1] =	stream.indirect_vreg.gather [hbm4b:s6+s2], $0x80, v3, vm0, $0xb8;
	[tilespmem:$0x14080] =	vst v63  }
0x84: {  	_ =	swait.ge [sflag:s26], $0x14000  }
0x85: {  	[sflag:s26] =	ssyncset.done $0x0  }
0x86: {  	s28 =	rddreg [dreg:$0x4];
	[sflag:s26] =	ssyncadd.s32 $0xFFFEC000  }
0x87: {  	[hbm4b:s28+s2] =	stream.linear.scatter [tilespmem:s0], [sflag:$0x2], $0x14000, $0x38;
	[tilespmem:$0x14080] =	vst v63  }
0x88: {  	_ =	swait.ge [sflag:s8], $0x14000  }
0x89: {  	[sflag:s8] =	ssyncset.done $0x0  }
0x8a: {  	s28 =	rddreg [dreg:$0x5];
	[sflag:s8] =	ssyncadd.s32 $0xFFFEC000  }
0x8b: {  	[tilespmem:s2], [sflag:$0x2] =	stream.linear.gather [hbm4b:s28+s2], $0x50, $0x38;
	[tilespmem:$0x14080] =	vst v63  }
0x8c: {  	_ =	swait.ge [sflag:s8], $0x50  }
0x8d: {  	[sflag:s8] =	ssyncset.done $0x0  }
0x8e: {  	[sflag:s8] =	ssyncadd.s32 $0xFFFFFFB0  }
0x8f: {  	v3 =	vld [tilespmem:$0x0];
	_ =	sdelay $0x4  }
0x90: {  	v59 =	vshll.u32 v3, $0x3  }
0x91: {  	v3 =	vand.u32 $0x7, v3;
	v4 =	vand.u32 $0xFFFFFFC0, v59  }
0x92: {  	v3 =	vor.u32 v3, v4  }
0x93: {  	v4 =	vperm.xlane v3, v0;
	_ =	sdelay $0x1  }
0x94: {  	v4 =	vadd.s32 v1, v4;
	_ =	sdelay $0x4  }
0x95: {  	[tilespmem:s0], [sflag:$0x1] =	stream.indirect_vreg.gather [hbm4b:s3+s2], $0x80, v4, vm0, $0xb8;
	[tilespmem:$0x14080] =	vst v63  }
0x96: {  	v3 =	vperm.xlane v3, v2  }
0x97: {  	[tilespmem:s29], [sflag:$0x1] =	stream.indirect_vreg.gather [hbm4b:s4+s2], $0x80, v4, vm0, $0xb8;
	[tilespmem:$0x14080] =	vst v63  }
0x98: {  	v3 =	vadd.s32 v1, v3  }
0x99: {  	[tilespmem:s30], [sflag:$0x1] =	stream.indirect_vreg.gather [hbm4b:s5+s2], $0x80, v4, vm0, $0xb8;
	[tilespmem:$0x14080] =	vst v63  }
0x9a: {  	_ = 	snop  }
0x9b: {  	[tilespmem:s31], [sflag:$0x1] =	stream.indirect_vreg.gather [hbm4b:s6+s2], $0x80, v4, vm0, $0xb8;
	[tilespmem:$0x14080] =	vst v63  }
0x9c: {  	_ = 	snop  }
0x9d: {  	[tilespmem:s1], [sflag:$0x1] =	stream.indirect_vreg.gather [hbm4b:s3+s2], $0x80, v3, vm0, $0xb8;
	[tilespmem:$0x14080] =	vst v63  }
0x9e: {  	s28 =	simm.s32 $0x2880  }
0x9f: {  	[tilespmem:s28], [sflag:$0x1] =	stream.indirect_vreg.gather [hbm4b:s4+s2], $0x80, v3, vm0, $0xb8;
	[tilespmem:$0x14080] =	vst v63  }
0xa0: {  	_ = 	snop  }
0xa1: {  	[tilespmem:s10], [sflag:$0x1] =	stream.indirect_vreg.gather [hbm4b:s5+s2], $0x80, v3, vm0, $0xb8;
	[tilespmem:$0x14080] =	vst v63  }
0xa2: {  	_ = 	snop  }
0xa3: {  	[tilespmem:s11], [sflag:$0x1] =	stream.indirect_vreg.gather [hbm4b:s6+s2], $0x80, v3, vm0, $0xb8;
	[tilespmem:$0x14080] =	vst v63  }
0xa4: {  	v3 =	vld [tilespmem:$0x10];
	_ =	sdelay $0x4  }
0xa5: {  	v60 =	vshll.u32 v3, $0x3  }
0xa6: {  	v3 =	vand.u32 $0x7, v3;
	v4 =	vand.u32 $0xFFFFFFC0, v60  }
0xa7: {  	v3 =	vor.u32 v3, v4  }
0xa8: {  	v4 =	vperm.xlane v3, v0;
	_ =	sdelay $0x1  }
0xa9: {  	v4 =	vadd.s32 v1, v4;
	_ =	sdelay $0x4  }
0xaa: {  	[tilespmem:s12], [sflag:$0x1] =	stream.indirect_vreg.gather [hbm4b:s3+s2], $0x80, v4, vm0, $0xb8;
	[tilespmem:$0x14080] =	vst v63  }
0xab: {  	v3 =	vperm.xlane v3, v2  }
0xac: {  	[tilespmem:s13], [sflag:$0x1] =	stream.indirect_vreg.gather [hbm4b:s4+s2], $0x80, v4, vm0, $0xb8;
	[tilespmem:$0x14080] =	vst v63  }
0xad: {  	v3 =	vadd.s32 v1, v3  }
0xae: {  	[tilespmem:s14], [sflag:$0x1] =	stream.indirect_vreg.gather [hbm4b:s5+s2], $0x80, v4, vm0, $0xb8;
	[tilespmem:$0x14080] =	vst v63  }
0xaf: {  	_ = 	snop  }
0xb0: {  	[tilespmem:s15], [sflag:$0x1] =	stream.indirect_vreg.gather [hbm4b:s6+s2], $0x80, v4, vm0, $0xb8;
	[tilespmem:$0x14080] =	vst v63  }
0xb1: {  	_ = 	snop  }
0xb2: {  	[tilespmem:s16], [sflag:$0x1] =	stream.indirect_vreg.gather [hbm4b:s3+s2], $0x80, v3, vm0, $0xb8;
	[tilespmem:$0x14080] =	vst v63  }
0xb3: {  	_ = 	snop  }
0xb4: {  	[tilespmem:s17], [sflag:$0x1] =	stream.indirect_vreg.gather [hbm4b:s4+s2], $0x80, v3, vm0, $0xb8;
	[tilespmem:$0x14080] =	vst v63  }
0xb5: {  	_ = 	snop  }
0xb6: {  	[tilespmem:s18], [sflag:$0x1] =	stream.indirect_vreg.gather [hbm4b:s5+s2], $0x80, v3, vm0, $0xb8;
	[tilespmem:$0x14080] =	vst v63  }
0xb7: {  	_ = 	snop  }
0xb8: {  	[tilespmem:s19], [sflag:$0x1] =	stream.indirect_vreg.gather [hbm4b:s6+s2], $0x80, v3, vm0, $0xb8;
	[tilespmem:$0x14080] =	vst v63  }
0xb9: {  	v3 =	vld [tilespmem:$0x20];
	_ =	sdelay $0x4  }
0xba: {  	v61 =	vshll.u32 v3, $0x3  }
0xbb: {  	v3 =	vand.u32 $0x7, v3;
	v4 =	vand.u32 $0xFFFFFFC0, v61  }
0xbc: {  	v3 =	vor.u32 v3, v4  }
0xbd: {  	v4 =	vperm.xlane v3, v0;
	_ =	sdelay $0x1  }
0xbe: {  	v4 =	vadd.s32 v1, v4;
	_ =	sdelay $0x4  }
0xbf: {  	[tilespmem:s20], [sflag:$0x1] =	stream.indirect_vreg.gather [hbm4b:s3+s2], $0x80, v4, vm0, $0xb8;
	[tilespmem:$0x14080] =	vst v63  }
0xc0: {  	v3 =	vperm.xlane v3, v2  }
0xc1: {  	[tilespmem:s21], [sflag:$0x1] =	stream.indirect_vreg.gather [hbm4b:s4+s2], $0x80, v4, vm0, $0xb8;
	[tilespmem:$0x14080] =	vst v63  }
0xc2: {  	v3 =	vadd.s32 v1, v3  }
0xc3: {  	[tilespmem:s22], [sflag:$0x1] =	stream.indirect_vreg.gather [hbm4b:s5+s2], $0x80, v4, vm0, $0xb8;
	[tilespmem:$0x14080] =	vst v63  }
0xc4: {  	_ = 	snop  }
0xc5: {  	[tilespmem:s23], [sflag:$0x1] =	stream.indirect_vreg.gather [hbm4b:s6+s2], $0x80, v4, vm0, $0xb8;
	[tilespmem:$0x14080] =	vst v63  }
0xc6: {  	_ = 	snop  }
0xc7: {  	[tilespmem:s24], [sflag:$0x1] =	stream.indirect_vreg.gather [hbm4b:s3+s2], $0x80, v3, vm0, $0xb8;
	[tilespmem:$0x14080] =	vst v63  }
0xc8: {  	_ = 	snop  }
0xc9: {  	[tilespmem:s25], [sflag:$0x1] =	stream.indirect_vreg.gather [hbm4b:s4+s2], $0x80, v3, vm0, $0xb8;
	[tilespmem:$0x14080] =	vst v63  }
0xca: {  	_ = 	snop  }
0xcb: {  	[tilespmem:s9], [sflag:$0x1] =	stream.indirect_vreg.gather [hbm4b:s5+s2], $0x80, v3, vm0, $0xb8;
	[tilespmem:$0x14080] =	vst v63  }
0xcc: {  	s28 =	simm.s32 $0xB880  }
0xcd: {  	[tilespmem:s28], [sflag:$0x1] =	stream.indirect_vreg.gather [hbm4b:s6+s2], $0x80, v3, vm0, $0xb8;
	[tilespmem:$0x14080] =	vst v63  }
0xce: {  	v3 =	vld [tilespmem:$0x30];
	_ =	sdelay $0x4  }
0xcf: {  	v62 =	vshll.u32 v3, $0x3  }
0xd0: {  	v3 =	vand.u32 $0x7, v3;
	v4 =	vand.u32 $0xFFFFFFC0, v62  }
0xd1: {  	v3 =	vor.u32 v3, v4  }
0xd2: {  	v4 =	vperm.xlane v3, v0;
	_ =	sdelay $0x1  }
0xd3: {  	v4 =	vadd.s32 v1, v4;
	_ =	sdelay $0x3  }
0xd4: {  	s9 =	simm.s32 $0xC080  }
0xd5: {  	[tilespmem:s9], [sflag:$0x1] =	stream.indirect_vreg.gather [hbm4b:s3+s2], $0x80, v4, vm0, $0xb8;
	[tilespmem:$0x14080] =	vst v63  }
0xd6: {  	s28 =	simm.s32 $0xC880;
	v3 =	vperm.xlane v3, v2  }
0xd7: {  	[tilespmem:s28], [sflag:$0x1] =	stream.indirect_vreg.gather [hbm4b:s4+s2], $0x80, v4, vm0, $0xb8;
	[tilespmem:$0x14080] =	vst v63  }
0xd8: {  	v3 =	vadd.s32 v1, v3;
	s9 =	simm.s32 $0xD080  }
0xd9: {  	[tilespmem:s9], [sflag:$0x1] =	stream.indirect_vreg.gather [hbm4b:s5+s2], $0x80, v4, vm0, $0xb8;
	[tilespmem:$0x14080] =	vst v63  }
0xda: {  	s28 =	simm.s32 $0xD880  }
0xdb: {  	[tilespmem:s28], [sflag:$0x1] =	stream.indirect_vreg.gather [hbm4b:s6+s2], $0x80, v4, vm0, $0xb8;
	[tilespmem:$0x14080] =	vst v63  }
0xdc: {  	s9 =	simm.s32 $0xE080  }
0xdd: {  	[tilespmem:s9], [sflag:$0x1] =	stream.indirect_vreg.gather [hbm4b:s3+s2], $0x80, v3, vm0, $0xb8;
	[tilespmem:$0x14080] =	vst v63  }
0xde: {  	s28 =	simm.s32 $0xE880  }
0xdf: {  	[tilespmem:s28], [sflag:$0x1] =	stream.indirect_vreg.gather [hbm4b:s4+s2], $0x80, v3, vm0, $0xb8;
	[tilespmem:$0x14080] =	vst v63  }
0xe0: {  	s9 =	simm.s32 $0xF080  }
0xe1: {  	[tilespmem:s9], [sflag:$0x1] =	stream.indirect_vreg.gather [hbm4b:s5+s2], $0x80, v3, vm0, $0xb8;
	[tilespmem:$0x14080] =	vst v63  }
0xe2: {  	s28 =	simm.s32 $0xF880  }
0xe3: {  	[tilespmem:s28], [sflag:$0x1] =	stream.indirect_vreg.gather [hbm4b:s6+s2], $0x80, v3, vm0, $0xb8;
	[tilespmem:$0x14080] =	vst v63  }
0xe4: {  	v3 =	vld [tilespmem:$0x40];
	_ =	sdelay $0x4  }
0xe5: {  	v63 =	vshll.u32 v3, $0x3  }
0xe6: {  	v3 =	vand.u32 $0x7, v3;
	v4 =	vand.u32 $0xFFFFFFC0, v63  }
0xe7: {  	v3 =	vor.u32 v3, v4  }
0xe8: {  	v4 =	vperm.xlane v3, v0;
	_ =	sdelay $0x1  }
0xe9: {  	v4 =	vadd.s32 v1, v4;
	_ =	sdelay $0x3  }
0xea: {  	s9 =	simm.s32 $0x10080  }
0xeb: {  	[tilespmem:s9], [sflag:$0x1] =	stream.indirect_vreg.gather [hbm4b:s3+s2], $0x80, v4, vm0, $0xb8;
	[tilespmem:$0x14080] =	vst v63  }
0xec: {  	s28 =	simm.s32 $0x10880;
	v3 =	vperm.xlane v3, v2  }
0xed: {  	[tilespmem:s28], [sflag:$0x1] =	stream.indirect_vreg.gather [hbm4b:s4+s2], $0x80, v4, vm0, $0xb8;
	[tilespmem:$0x14080] =	vst v63  }
0xee: {  	v3 =	vadd.s32 v1, v3;
	s9 =	simm.s32 $0x11080  }
0xef: {  	[tilespmem:s9], [sflag:$0x1] =	stream.indirect_vreg.gather [hbm4b:s5+s2], $0x80, v4, vm0, $0xb8;
	[tilespmem:$0x14080] =	vst v63  }
0xf0: {  	s28 =	simm.s32 $0x11880  }
0xf1: {  	[tilespmem:s28], [sflag:$0x1] =	stream.indirect_vreg.gather [hbm4b:s6+s2], $0x80, v4, vm0, $0xb8;
	[tilespmem:$0x14080] =	vst v63  }
0xf2: {  	s9 =	simm.s32 $0x12080  }
0xf3: {  	[tilespmem:s9], [sflag:$0x1] =	stream.indirect_vreg.gather [hbm4b:s3+s2], $0x80, v3, vm0, $0xb8;
	[tilespmem:$0x14080] =	vst v63  }
0xf4: {  	s28 =	simm.s32 $0x12880  }
0xf5: {  	[tilespmem:s28], [sflag:$0x1] =	stream.indirect_vreg.gather [hbm4b:s4+s2], $0x80, v3, vm0, $0xb8;
	[tilespmem:$0x14080] =	vst v63  }
0xf6: {  	s9 =	simm.s32 $0x13080  }
0xf7: {  	[tilespmem:s9], [sflag:$0x1] =	stream.indirect_vreg.gather [hbm4b:s5+s2], $0x80, v3, vm0, $0xb8;
	[tilespmem:$0x14080] =	vst v63  }
0xf8: {  	s28 =	simm.s32 $0x13880  }
0xf9: {  	[tilespmem:s28], [sflag:$0x1] =	stream.indirect_vreg.gather [hbm4b:s6+s2], $0x80, v3, vm0, $0xb8;
	[tilespmem:$0x14080] =	vst v63  }
0xfa: {  	_ =	swait.ge [sflag:s26], $0x14000  }
0xfb: {  	p0 =	sne.s32 s7, $0x1;
	[sflag:s26] =	ssyncset.done $0x0  }
.Ltmp0:
0xfc: {  	s9 =	rddreg [dreg:$0x6];
	[sflag:s26] =	ssyncadd.s32 $0xFFFEC000;
	(pc) =	sbr.rel @p0 .LBB2_1-.Ltmp0, $4  }
0xfd: {  	[hbm4b:s9+s2] =	stream.linear.scatter [tilespmem:s0], [sflag:$0x2], $0x14000, $0x38;
	[tilespmem:$0x14080] =	vst v63  }
0xfe: {  	_ =	swait.ge [sflag:s8], $0x14000  }
0xff: {  	[sflag:s8] =	ssyncset.done $0x0  }
0x100: {  	s7 =	sadd.s32 $0xFFFFFFFF, s7;
	[sflag:s8] =	ssyncadd.s32 $0xFFFEC000  }
0x101: {  	_ =	sfence.sel $0x180000  }
0x102: {  	[bflag:$0x0] =	sbarrier.arrive $0xFFFF  }
0x103: {  	_ =	strace $0x90000047  }
0x104: {  	s0 =	stileid.u32;
	[bflag:$0x2] =	sbarrier.arrive $0xFFFF  }
0x105: {  	p0 =	sne.s32 s0, $0x0;
	s0 =	rddreg [dreg:$0x2]  }
0x106: {  	s0 =	sadd.s32 @!p0 $0x100000, s0  }
0x107: {  	[sflag:s0] =	ssyncadd.tile.s32 @!p0 $0x1;
	_ =	shalt  }
.Lfunc_end2:
_tile_overlayer_lowered:
.L_overlay_start_2:
0x108: {  	(tag) =	ssettag $0x2  }
0x109: {  	s0 =	rddreg [dreg:$0x0];
	s2 =	stileid.u32  }
0x10a: {  	s1 =	rddreg [dreg:$0x1];
	p0 =	sne.s32 s2, $0x0  }
0x10b: {  	s3 =	rddreg [dreg:$0x2];
	[bflag:$0x3] =	sbarrier.arrive $0xFFFF;
	s2 =	simm.s32 @!p0 $0x1C02  }
0x10c: {  	[timem:s3], [sflag:s2] =	dma.local @!p0 [hbm:s0], s1  }
0x10d: {  	s0 =	simm.s32 @!p0 $0x2  }
0x10e: {  	_ =	swait.ge @!p0 [sflag:s0], s1  }
0x10f: {  	s1 =	ssub.s32 @!p0 $0x0, s1;
	[sflag:s0] =	ssyncset.done @!p0 $0x0  }
0x110: {  	[sflag:s0] =	ssyncadd.s32 @!p0 s1  }
0x111: {  	[bflag:$0x3] =	sbarrier.arrive $0xFFFF  }
0x112: {  	_ =	shalt  }

</sc_bundles>
